<compile_context>
chip_gen: v7x
topology: tpu7x:2x2x1
jax: 0.10.2.dev20260603
libtpu: 0.0.44.dev20260713+nightly
codegen_flags: <defaults>
</compile_context>

<pallas_src>
import jax
import jax.numpy as jnp
from jax.experimental import pallas as pl
from jax.experimental.pallas import tpu as pltpu
from jax.experimental.pallas import tpu_sc as plsc

_N = 10000
_M = 2500
_D = 128
_BM = 256
_M_PAD = 2560
_GW = 80


def _top2_body(sc_ref, ct_ref, idx_ref):
    a = sc_ref[0]
    ct = ct_ref[0]
    a0, a1, a2 = a[:, 0:1], a[:, 1:2], a[:, 2:3]
    b0, b1, b2 = ct[0:1, :], ct[1:2, :], ct[2:3, :]
    aa = (a0 * a0 + a2 * a2) + a1 * a1
    bb = (b0 * b0 + b2 * b2) + b1 * b1
    ab2 = jax.lax.dot_general(a + a, ct, (((1,), (0,)), ((), ())),
                              preferred_element_type=jnp.float32)
    dist = (aa + bb) - ab2
    iota = jax.lax.broadcasted_iota(jnp.int32, dist.shape, 1).astype(jnp.float32)
    big = jnp.float32(_N)
    m1 = jnp.min(dist, axis=1, keepdims=True)
    i1 = jnp.min(jnp.where(dist == m1, iota, big), axis=1, keepdims=True)
    d2 = jnp.where(iota == i1, jnp.float32(jnp.inf), dist)
    m2 = jnp.min(d2, axis=1, keepdims=True)
    i2 = jnp.min(jnp.where(d2 == m2, iota, big), axis=1, keepdims=True)
    idx_ref[0] = i2.astype(jnp.int32)


def _second_nn_idx2(shortcut_pad2, ct2, interpret=False):
    return pl.pallas_call(
        _top2_body,
        grid=(2, _M_PAD // _BM),
        in_specs=[
            pl.BlockSpec((1, _BM, 3), lambda p, i: (p, i, 0)),
            pl.BlockSpec((1, 3, _N), lambda p, i: (p, 0, 0)),
        ],
        out_specs=pl.BlockSpec((1, _BM, 1), lambda p, i: (p, i, 0)),
        out_shape=jax.ShapeDtypeStruct((2, _M_PAD, 1), jnp.int32),
        interpret=interpret,
    )(shortcut_pad2, ct2)


def _sc_gather(feats, idx_2d):
    mesh = plsc.VectorSubcoreMesh(core_axis_name="c", subcore_axis_name="s")

    @pl.kernel(out_type=jax.ShapeDtypeStruct((_M_PAD, _D), feats.dtype),
               mesh=mesh)
    def kern(x_hbm, i_hbm, o_hbm):
        def body(i_vmem, o_vmem):
            pltpu.sync_copy(x_hbm.at[i_vmem.at[0]], o_vmem)

        pltpu.emit_pipeline(
            body,
            grid=(_M_PAD // _GW,),
            in_specs=[pl.BlockSpec((1, _GW), index_map=lambda i: (i, 0))],
            out_specs=[pl.BlockSpec((_GW, _D), index_map=lambda i: (i, 0))],
            core_axis_name=("c", "s"),
            dimension_semantics=(pltpu.PARALLEL,),
        )(i_hbm, o_hbm)

    return kern(feats, idx_2d)


def kernel(src, tgt, src_coords, tgt_coords,
           src_shortcut_coords, tgt_shortcut_coords):
    pad = jnp.zeros((_M_PAD - _M, 3), jnp.float32)
    scp2 = jnp.stack([
        jnp.concatenate([src_shortcut_coords, pad], axis=0),
        jnp.concatenate([tgt_shortcut_coords, pad], axis=0),
    ])
    ct2 = jnp.stack([src_coords.T, tgt_coords.T])
    idx2 = _second_nn_idx2(scp2, ct2)
    src_out = _sc_gather(src, idx2[0].reshape(_M_PAD // _GW, _GW))
    tgt_out = _sc_gather(tgt, idx2[1].reshape(_M_PAD // _GW, _GW))
    return (src_out[:_M], tgt_out[:_M])

# --- scband reference (transcript-rebuilt; emitter-appended) ---
"""Pipeline reference for scband-closest-pool1-d-63969242906681 (READ-ONLY COPY).

The authoritative reference and input builder live on the scoring server;
editing this copy changes nothing except your own understanding.
"""

import jax, jax.numpy as jnp
import numpy as np


def return_distance(a, b):
    # squared euclidean pairwise distance: a [M,3], b [N,3] -> [M,N]
    aa = jnp.sum(a * a, axis=-1, keepdims=True)
    bb = jnp.sum(b * b, axis=-1)[None, :]
    return aa + bb - 2.0 * (a @ b.T)


def closest_pooling(feats, coords, shortcut_coords):
    dist = return_distance(shortcut_coords, coords)
    # topk k=2 smallest, sorted -> take the 2nd closest index
    _, idx = jax.lax.top_k(-dist, 2)
    idx = idx[:, 1]
    return feats[idx]


def setup_inputs(seed: int = 0) -> dict:
    key = jax.random.key(seed)
    ks = jax.random.split(key, 6)
    N = 10000
    M = 2500
    D = 128
    src = jax.random.normal(ks[0], (N, D), dtype=jnp.float32)
    tgt = jax.random.normal(ks[1], (N, D), dtype=jnp.float32)
    src_coords = jax.random.uniform(ks[2], (N, 3), dtype=jnp.float32)
    tgt_coords = jax.random.uniform(ks[3], (N, 3), dtype=jnp.float32)
    src_shortcut_coords = jax.random.uniform(ks[4], (M, 3), dtype=jnp.float32)
    tgt_shortcut_coords = jax.random.uniform(ks[5], (M, 3), dtype=jnp.float32)
    return {
        "src": src,
        "tgt": tgt,
        "src_coords": src_coords,
        "tgt_coords": tgt_coords,
        "src_shortcut_coords": src_shortcut_coords,
        "tgt_shortcut_coords": tgt_shortcut_coords,
    }


def reference(src, tgt, src_coords, tgt_coords, src_shortcut_coords, tgt_shortcut_coords):
    src_out = closest_pooling(src, src_coords, src_shortcut_coords)
    tgt_out = closest_pooling(tgt, tgt_coords, tgt_shortcut_coords)
    return (src_out, tgt_out)

if __name__ == "__main__":
    import jax
    _d = setup_inputs()
    print(jax.jit(kernel)(*tuple(_d.values())))

</pallas_src>

<mosaic_0001>
#map = affine_map<(d0, d1) -> (0, 0)>
module attributes {stable_mosaic.version = 14 : i64} {
  func.func @kern(%arg0: i32, %arg1: i32, %arg2: memref<10000x128xf32, #tpu.memory_space<hbm>>, %arg3: memref<32x80xi32, #tpu.memory_space<hbm>>, %arg4: memref<2560x128xf32, #tpu.memory_space<hbm>>) attributes {dimension_semantics = [#tpu.dimension_semantics<core_parallel>, #tpu.dimension_semantics<subcore_parallel>], iteration_bounds = array<i64: 2, 16>, scalar_prefetch = 0 : i64, scratch_operands = 0 : i64, tpu.core_type = #tpu.core_type<sc_vector_subcore>, window_params = [{transform_indices = #map}, {transform_indices = #map}, {transform_indices = #map}]} {
    %mul3A = arith.constant 1 : i32
    %mul3A_0 = arith.muli %arg1, %mul3A : i32
    %add3A = arith.constant 0 : i32
    %add3A_1 = arith.addi %add3A, %mul3A_0 : i32
    %mul3A_2 = arith.constant 16 : i32
    %mul3A_3 = arith.muli %arg0, %mul3A_2 : i32
    %add3A_4 = arith.addi %add3A_1, %mul3A_3 : i32
    %mul3A_5 = arith.constant 1 : i32
    %mul3A_6 = arith.muli %add3A_4, %mul3A_5 : i32
    "tpu.region"() ({
      %run_scoped3A = memref.alloca() : memref<2x1x80xi32, #tpu.memory_space<vmem>>
      %run_scoped3A_7 = tpu.sem_alloc : memref<2x!tpu.dma_semaphore, #tpu.memory_space<semaphore_mem>>
      %run_scoped3A_8 = memref.alloca() : memref<2x80x128xf32, #tpu.memory_space<vmem>>
      %run_scoped3A_9 = tpu.sem_alloc : memref<2x!tpu.dma_semaphore, #tpu.memory_space<semaphore_mem>>
      %add3A_10 = arith.constant 0 : i32
      %add3A_11 = arith.addi %add3A_10, %mul3A_6 : i32
      %select_n3A = arith.constant true
      %select_n3A_12 = arith.constant 0 : i32
      %select_n3A_13 = arith.constant -1 : i32
      %select_n3A_14 = arith.select %select_n3A, %select_n3A_13, %select_n3A_12 : i32
      %eq3A = arith.constant -1 : i32
      %eq3A_15 = arith.cmpi eq, %select_n3A_14, %eq3A : i32
      %select_n3A_16 = arith.constant 0 : i32
      %select_n3A_17 = arith.select %eq3A_15, %select_n3A_16, %select_n3A_14 : i32
      %add3A_18 = arith.constant 0 : i32
      %add3A_19 = arith.addi %add3A_18, %mul3A_6 : i32
      %select_n3A_20 = arith.constant true
      %select_n3A_21 = arith.constant 0 : i32
      %select_n3A_22 = arith.constant 1 : i32
      %select_n3A_23 = arith.select %select_n3A_20, %select_n3A_22, %select_n3A_21 : i32
      %eq3A_24 = arith.constant 1 : i32
      %eq3A_25 = arith.cmpi eq, %select_n3A_23, %eq3A_24 : i32
      %select_n3A_26 = arith.constant 0 : i32
      %select_n3A_27 = arith.select %eq3A_25, %select_n3A_26, %select_n3A_23 : i32
      %add3A_28 = arith.constant 0 : i32
      %add3A_29 = arith.addi %add3A_28, %mul3A_6 : i32
      %select_n3A_30 = arith.constant true
      %select_n3A_31 = arith.constant 0 : i32
      %select_n3A_32 = arith.constant 1 : i32
      %select_n3A_33 = arith.select %select_n3A_30, %select_n3A_32, %select_n3A_31 : i32
      %eq3A_34 = arith.constant 1 : i32
      %eq3A_35 = arith.cmpi eq, %select_n3A_33, %eq3A_34 : i32
      %select_n3A_36 = arith.constant 0 : i32
      %select_n3A_37 = arith.select %eq3A_35, %select_n3A_36, %select_n3A_33 : i32
      %add3A_38 = arith.constant 0 : i32
      %add3A_39 = arith.addi %add3A_38, %mul3A_6 : i32
      "tpu.trace_start"() <{level = 10 : i32, message = "ep_initialize_0"}> : () -> ()
      %rem3A = arith.constant 0 : i32
      %rem3A_40 = arith.constant 2 : i32
      %rem3A_41 = arith.remui %rem3A, %rem3A_40 : i32
      %mul3A_42 = arith.constant 1 : i32
      %mul3A_43 = arith.muli %mul3A_42, %add3A_11 : i32
      %dma_start3A = arith.constant 0 : i32
      %dma_start3A_44 = arith.constant 0 : i32
      %dma_start3A_45 = tpu.memref_slice %run_scoped3A[%rem3A_41, %dma_start3A, %dma_start3A_44] : memref<2x1x80xi32, #tpu.memory_space<vmem>> -> memref<1x1x80xi32, #tpu.memory_space<vmem>>
      %dma_start3A_46 = tpu.memref_squeeze %dma_start3A_45 : memref<1x1x80xi32, #tpu.memory_space<vmem>> -> memref<1x80xi32, #tpu.memory_space<vmem>>
      %dma_start3A_47 = arith.constant 0 : i32
      %dma_start3A_48 = tpu.memref_slice %arg3[%mul3A_43, %dma_start3A_47] : memref<32x80xi32, #tpu.memory_space<hbm>> -> memref<1x80xi32, #tpu.memory_space<hbm>>
      %dma_start3A_49 = tpu.memref_slice %run_scoped3A_7[%rem3A_41] : memref<2x!tpu.dma_semaphore, #tpu.memory_space<semaphore_mem>> -> memref<1x!tpu.dma_semaphore, #tpu.memory_space<semaphore_mem>>
      %dma_start3A_50 = tpu.memref_squeeze %dma_start3A_49 : memref<1x!tpu.dma_semaphore, #tpu.memory_space<semaphore_mem>> -> memref<!tpu.dma_semaphore, #tpu.memory_space<semaphore_mem>>
      %dma_start3A_51 = arith.constant 0 : i32
      %dma_start3A_52 = arith.constant 0 : i32
      %dma_start3A_53 = tpu.memref_slice %run_scoped3A[%rem3A_41, %dma_start3A_51, %dma_start3A_52] : memref<2x1x80xi32, #tpu.memory_space<vmem>> -> memref<1x1x80xi32, #tpu.memory_space<vmem>>
      %dma_start3A_54 = tpu.memref_squeeze %dma_start3A_53 : memref<1x1x80xi32, #tpu.memory_space<vmem>> -> memref<1x80xi32, #tpu.memory_space<vmem>>
      %dma_start3A_55 = arith.constant 0 : i32
      %dma_start3A_56 = tpu.memref_slice %arg3[%mul3A_43, %dma_start3A_55] : memref<32x80xi32, #tpu.memory_space<hbm>> -> memref<1x80xi32, #tpu.memory_space<hbm>>
      tpu.enqueue_dma source(%dma_start3A_56 : memref<1x80xi32, #tpu.memory_space<hbm>>) target(%dma_start3A_54 : memref<1x80xi32, #tpu.memory_space<vmem>>) target_semaphore(%dma_start3A_50 : memref<!tpu.dma_semaphore, #tpu.memory_space<semaphore_mem>>)
      %add3A_57 = arith.constant 0 : i32
      %add3A_58 = arith.constant 1 : i32
      %add3A_59 = arith.addi %add3A_57, %add3A_58 : i32
      %select_n3A_60 = arith.constant true
      %select_n3A_61 = arith.constant 0 : i32
      %select_n3A_62 = arith.select %select_n3A_60, %add3A_59, %select_n3A_61 : i32
      "tpu.trace_stop"() : () -> ()
      %scan3A = arith.constant 0 : i32
      %scan3A_63 = arith.constant 0 : i32
      %scan3A_64 = arith.constant 0 : i32
      %scan3A_65 = arith.constant 0 : i32
      %scan3A_66 = arith.constant 0 : i32
      %eq3A_67 = arith.constant 0 : i32
      %eq3A_68 = arith.cmpi eq, %scan3A_66, %eq3A_67 : i32
      %eq3A_69 = arith.constant 0 : i32
      %eq3A_70 = arith.cmpi eq, %scan3A_66, %eq3A_69 : i32
      %add3A_71 = arith.constant 0 : i32
      %add3A_72 = arith.addi %add3A_71, %mul3A_6 : i32
      %select_n3A_73 = arith.constant true
      %select_n3A_74 = arith.constant 0 : i32
      %select_n3A_75 = arith.constant -1 : i32
      %select_n3A_76 = arith.select %select_n3A_73, %select_n3A_75, %select_n3A_74 : i32
      %eq3A_77 = arith.constant -1 : i32
      %eq3A_78 = arith.cmpi eq, %select_n3A_76, %eq3A_77 : i32
      %select_n3A_79 = arith.constant 0 : i32
      %select_n3A_80 = arith.select %eq3A_78, %select_n3A_79, %select_n3A_76 : i32
      %add3A_81 = arith.constant 0 : i32
      %add3A_82 = arith.addi %add3A_81, %mul3A_6 : i32
      %select_n3A_83 = arith.constant true
      %select_n3A_84 = arith.constant 0 : i32
      %select_n3A_85 = arith.constant 1 : i32
      %select_n3A_86 = arith.select %select_n3A_83, %select_n3A_85, %select_n3A_84 : i32
      %eq3A_87 = arith.constant 1 : i32
      %eq3A_88 = arith.cmpi eq, %select_n3A_86, %eq3A_87 : i32
      %select_n3A_89 = arith.constant 0 : i32
      %select_n3A_90 = arith.select %eq3A_88, %select_n3A_89, %select_n3A_86 : i32
      %add3A_91 = arith.constant 0 : i32
      %add3A_92 = arith.addi %add3A_91, %mul3A_6 : i32
      %select_n3A_93 = arith.constant true
      %select_n3A_94 = arith.constant 0 : i32
      %select_n3A_95 = arith.constant 1 : i32
      %select_n3A_96 = arith.select %select_n3A_93, %select_n3A_95, %select_n3A_94 : i32
      %eq3A_97 = arith.constant 1 : i32
      %eq3A_98 = arith.cmpi eq, %select_n3A_96, %eq3A_97 : i32
      %select_n3A_99 = arith.constant 0 : i32
      %select_n3A_100 = arith.select %eq3A_98, %select_n3A_99, %select_n3A_96 : i32
      %add3A_101 = arith.constant 0 : i32
      %add3A_102 = arith.addi %add3A_101, %mul3A_6 : i32
      %ne3A = arith.cmpi ne, %add3A_72, %add3A_92 : i32
      %or3A = arith.constant false
      %or3A_103 = arith.ori %or3A, %ne3A : i1
      %or3A_104 = arith.constant false
      %or3A_105 = arith.ori %or3A_103, %or3A_104 : i1
      %ge3A = arith.constant 0 : i32
      %ge3A_106 = arith.cmpi sge, %scan3A_66, %ge3A : i32
      %not3A = arith.constant true
      %not3A_107 = arith.xori %ge3A_106, %not3A : i1
      %and3A = arith.andi %or3A_105, %not3A_107 : i1
      %convert_element_type3A = arith.extui %and3A : i1 to i32
      %cond3A = arith.constant 0 : i32
      %cond3A_108 = arith.cmpi ne, %convert_element_type3A, %cond3A : i32
      scf.if %cond3A_108 {
        "tpu.trace_start"() <{level = 10 : i32, message = "ep_copy_in"}> : () -> ()
        %rem3A_276 = arith.constant 2 : i32
        %rem3A_277 = arith.remui %select_n3A_62, %rem3A_276 : i32
        %mul3A_278 = arith.constant 1 : i32
        %mul3A_279 = arith.muli %mul3A_278, %add3A_92 : i32
        %dma_start3A_280 = arith.constant 0 : i32
        %dma_start3A_281 = arith.constant 0 : i32
        %dma_start3A_282 = tpu.memref_slice %run_scoped3A[%rem3A_277, %dma_start3A_280, %dma_start3A_281] : memref<2x1x80xi32, #tpu.memory_space<vmem>> -> memref<1x1x80xi32, #tpu.memory_space<vmem>>
        %dma_start3A_283 = tpu.memref_squeeze %dma_start3A_282 : memref<1x1x80xi32, #tpu.memory_space<vmem>> -> memref<1x80xi32, #tpu.memory_space<vmem>>
        %dma_start3A_284 = arith.constant 0 : i32
        %dma_start3A_285 = tpu.memref_slice %arg3[%mul3A_279, %dma_start3A_284] : memref<32x80xi32, #tpu.memory_space<hbm>> -> memref<1x80xi32, #tpu.memory_space<hbm>>
        %dma_start3A_286 = tpu.memref_slice %run_scoped3A_7[%rem3A_277] : memref<2x!tpu.dma_semaphore, #tpu.memory_space<semaphore_mem>> -> memref<1x!tpu.dma_semaphore, #tpu.memory_space<semaphore_mem>>
        %dma_start3A_287 = tpu.memref_squeeze %dma_start3A_286 : memref<1x!tpu.dma_semaphore, #tpu.memory_space<semaphore_mem>> -> memref<!tpu.dma_semaphore, #tpu.memory_space<semaphore_mem>>
        %dma_start3A_288 = arith.constant 0 : i32
        %dma_start3A_289 = arith.constant 0 : i32
        %dma_start3A_290 = tpu.memref_slice %run_scoped3A[%rem3A_277, %dma_start3A_288, %dma_start3A_289] : memref<2x1x80xi32, #tpu.memory_space<vmem>> -> memref<1x1x80xi32, #tpu.memory_space<vmem>>
        %dma_start3A_291 = tpu.memref_squeeze %dma_start3A_290 : memref<1x1x80xi32, #tpu.memory_space<vmem>> -> memref<1x80xi32, #tpu.memory_space<vmem>>
        %dma_start3A_292 = arith.constant 0 : i32
        %dma_start3A_293 = tpu.memref_slice %arg3[%mul3A_279, %dma_start3A_292] : memref<32x80xi32, #tpu.memory_space<hbm>> -> memref<1x80xi32, #tpu.memory_space<hbm>>
        tpu.enqueue_dma source(%dma_start3A_293 : memref<1x80xi32, #tpu.memory_space<hbm>>) target(%dma_start3A_291 : memref<1x80xi32, #tpu.memory_space<vmem>>) target_semaphore(%dma_start3A_287 : memref<!tpu.dma_semaphore, #tpu.memory_space<semaphore_mem>>)
        "tpu.trace_stop"() : () -> ()
      } else {
      }
      %and3A_109 = arith.constant true
      %and3A_110 = arith.andi %and3A, %and3A_109 : i1
      %add3A_111 = arith.constant 1 : i32
      %add3A_112 = arith.addi %select_n3A_62, %add3A_111 : i32
      %select_n3A_113 = arith.select %and3A_110, %add3A_112, %select_n3A_62 : i32
      %ne3A_114 = arith.cmpi ne, %add3A_72, %add3A_92 : i32
      %or3A_115 = arith.constant false
      %or3A_116 = arith.ori %or3A_115, %ne3A_114 : i1
      %or3A_117 = arith.constant false
      %or3A_118 = arith.ori %or3A_116, %or3A_117 : i1
      %ge3A_119 = arith.constant 0 : i32
      %ge3A_120 = arith.cmpi sge, %scan3A_66, %ge3A_119 : i32
      %not3A_121 = arith.constant true
      %not3A_122 = arith.xori %ge3A_120, %not3A_121 : i1
      %and3A_123 = arith.andi %or3A_118, %not3A_122 : i1
      %ne3A_124 = arith.cmpi ne, %add3A_72, %add3A_82 : i32
      %or3A_125 = arith.constant false
      %or3A_126 = arith.ori %or3A_125, %ne3A_124 : i1
      %or3A_127 = arith.constant false
      %or3A_128 = arith.ori %or3A_126, %or3A_127 : i1
      %or3A_129 = arith.ori %or3A_128, %eq3A_68 : i1
      %convert_element_type3A_130 = arith.extui %or3A_129 : i1 to i32
      %cond3A_131 = arith.constant 0 : i32
      %cond3A_132 = arith.cmpi ne, %convert_element_type3A_130, %cond3A_131 : i32
      scf.if %cond3A_132 {
        "tpu.trace_start"() <{level = 10 : i32, message = "ep_wait_in"}> : () -> ()
        %mul3A_276 = arith.constant 1 : i32
        %mul3A_277 = arith.muli %mul3A_276, %add3A_72 : i32
        %rem3A_278 = arith.constant 2 : i32
        %rem3A_279 = arith.remui %scan3A, %rem3A_278 : i32
        %dma_wait3A_280 = arith.constant 0 : i32
        %dma_wait3A_281 = arith.constant 0 : i32
        %dma_wait3A_282 = tpu.memref_slice %run_scoped3A[%rem3A_279, %dma_wait3A_280, %dma_wait3A_281] : memref<2x1x80xi32, #tpu.memory_space<vmem>> -> memref<1x1x80xi32, #tpu.memory_space<vmem>>
        %dma_wait3A_283 = tpu.memref_squeeze %dma_wait3A_282 : memref<1x1x80xi32, #tpu.memory_space<vmem>> -> memref<1x80xi32, #tpu.memory_space<vmem>>
        %dma_wait3A_284 = arith.constant 0 : i32
        %dma_wait3A_285 = tpu.memref_slice %arg3[%mul3A_277, %dma_wait3A_284] : memref<32x80xi32, #tpu.memory_space<hbm>> -> memref<1x80xi32, #tpu.memory_space<hbm>>
        %dma_wait3A_286 = tpu.memref_slice %run_scoped3A_7[%rem3A_279] : memref<2x!tpu.dma_semaphore, #tpu.memory_space<semaphore_mem>> -> memref<1x!tpu.dma_semaphore, #tpu.memory_space<semaphore_mem>>
        %dma_wait3A_287 = tpu.memref_squeeze %dma_wait3A_286 : memref<1x!tpu.dma_semaphore, #tpu.memory_space<semaphore_mem>> -> memref<!tpu.dma_semaphore, #tpu.memory_space<semaphore_mem>>
        %dma_wait3A_288 = arith.constant 0 : i32
        %dma_wait3A_289 = arith.constant 0 : i32
        %dma_wait3A_290 = tpu.memref_slice %run_scoped3A[%rem3A_279, %dma_wait3A_288, %dma_wait3A_289] : memref<2x1x80xi32, #tpu.memory_space<vmem>> -> memref<1x1x80xi32, #tpu.memory_space<vmem>>
        %dma_wait3A_291 = tpu.memref_squeeze %dma_wait3A_290 : memref<1x1x80xi32, #tpu.memory_space<vmem>> -> memref<1x80xi32, #tpu.memory_space<vmem>>
        %dma_wait3A_292 = arith.constant 0 : i32
        %dma_wait3A_293 = tpu.memref_slice %arg3[%mul3A_277, %dma_wait3A_292] : memref<32x80xi32, #tpu.memory_space<hbm>> -> memref<1x80xi32, #tpu.memory_space<hbm>>
        tpu.wait_dma2 semaphore(%dma_wait3A_287 : memref<!tpu.dma_semaphore, #tpu.memory_space<semaphore_mem>>) src(%dma_wait3A_293 : memref<1x80xi32, #tpu.memory_space<hbm>>) dst(%dma_wait3A_291 : memref<1x80xi32, #tpu.memory_space<vmem>>)
        "tpu.trace_stop"() : () -> ()
      } else {
      }
      %ne3A_133 = arith.cmpi ne, %add3A_72, %add3A_82 : i32
      %or3A_134 = arith.constant false
      %or3A_135 = arith.ori %or3A_134, %ne3A_133 : i1
      %or3A_136 = arith.constant false
      %or3A_137 = arith.ori %or3A_135, %or3A_136 : i1
      %or3A_138 = arith.ori %or3A_137, %eq3A_68 : i1
      %convert_element_type3A_139 = arith.extui %or3A_138 : i1 to i32
      %cond3A_140 = arith.constant 0 : i32
      %cond3A_141 = arith.cmpi ne, %convert_element_type3A_139, %cond3A_140 : i32
      scf.if %cond3A_141 {
      } else {
      }
      %rem3A_142 = arith.constant 2 : i32
      %rem3A_143 = arith.remui %scan3A, %rem3A_142 : i32
      %rem3A_144 = arith.constant 2 : i32
      %rem3A_145 = arith.remui %scan3A_63, %rem3A_144 : i32
      %run_scoped3A_146 = arith.constant 0 : i32
      "tpu.trace_start"() <{level = 10 : i32, message = "ep_run_kernel"}> : () -> ()
      "tpu.region"() ({
        %run_scoped3A_276 = tpu.sem_alloc : memref<!tpu.dma_semaphore, #tpu.memory_space<semaphore_mem>>
        %dma_start3A_277 = arith.constant 0 : i32
        %dma_start3A_278 = arith.constant 0 : i32
        %dma_start3A_279 = tpu.memref_slice %run_scoped3A_8[%rem3A_145, %dma_start3A_277, %dma_start3A_278] : memref<2x80x128xf32, #tpu.memory_space<vmem>> -> memref<1x80x128xf32, #tpu.memory_space<vmem>>
        %dma_start3A_280 = tpu.memref_squeeze %dma_start3A_279 : memref<1x80x128xf32, #tpu.memory_space<vmem>> -> memref<80x128xf32, #tpu.memory_space<vmem>>
        %dma_start3A_281 = arith.constant 0 : i32
        %dma_start3A_282 = arith.constant 0 : i32
        %dma_start3A_283 = tpu.memref_slice %run_scoped3A[%rem3A_143, %dma_start3A_281, %dma_start3A_282] : memref<2x1x80xi32, #tpu.memory_space<vmem>> -> memref<1x1x80xi32, #tpu.memory_space<vmem>>
        %dma_start3A_284 = tpu.memref_squeeze %dma_start3A_283 : memref<1x1x80xi32, #tpu.memory_space<vmem>> -> memref<1x80xi32, #tpu.memory_space<vmem>>
        %dma_start3A_285 = arith.constant 0 : i32
        %dma_start3A_286 = tpu.memref_slice %dma_start3A_284[%run_scoped3A_146, %dma_start3A_285] : memref<1x80xi32, #tpu.memory_space<vmem>> -> memref<1x80xi32, #tpu.memory_space<vmem>>
        %dma_start3A_287 = tpu.memref_squeeze %dma_start3A_286 : memref<1x80xi32, #tpu.memory_space<vmem>> -> memref<80xi32, #tpu.memory_space<vmem>>
        %dma_start3A_288 = arith.constant 0 : i32
        %dma_start3A_289 = arith.constant 0 : i32
        %dma_start3A_290 = tpu.memref_slice %arg2[%dma_start3A_288, %dma_start3A_289] : memref<10000x128xf32, #tpu.memory_space<hbm>> -> memref<10000x128xf32, #tpu.memory_space<hbm>>
        tpu.enqueue_indirect_dma source(%dma_start3A_290 : memref<10000x128xf32, #tpu.memory_space<hbm>>) target(%dma_start3A_280 : memref<80x128xf32, #tpu.memory_space<vmem>>) offsets(%dma_start3A_287 : memref<80xi32, #tpu.memory_space<vmem>>) semaphore(%run_scoped3A_276 : memref<!tpu.dma_semaphore, #tpu.memory_space<semaphore_mem>>)
        %dma_wait3A_291 = arith.constant 0 : i32
        %dma_wait3A_292 = arith.constant 0 : i32
        %dma_wait3A_293 = tpu.memref_slice %run_scoped3A_8[%rem3A_145, %dma_wait3A_291, %dma_wait3A_292] : memref<2x80x128xf32, #tpu.memory_space<vmem>> -> memref<1x80x128xf32, #tpu.memory_space<vmem>>
        %dma_wait3A_294 = tpu.memref_squeeze %dma_wait3A_293 : memref<1x80x128xf32, #tpu.memory_space<vmem>> -> memref<80x128xf32, #tpu.memory_space<vmem>>
        %dma_wait3A_295 = arith.constant 0 : i32
        %dma_wait3A_296 = arith.constant 0 : i32
        %dma_wait3A_297 = tpu.memref_slice %run_scoped3A[%rem3A_143, %dma_wait3A_295, %dma_wait3A_296] : memref<2x1x80xi32, #tpu.memory_space<vmem>> -> memref<1x1x80xi32, #tpu.memory_space<vmem>>
        %dma_wait3A_298 = tpu.memref_squeeze %dma_wait3A_297 : memref<1x1x80xi32, #tpu.memory_space<vmem>> -> memref<1x80xi32, #tpu.memory_space<vmem>>
        %dma_wait3A_299 = arith.constant 0 : i32
        %dma_wait3A_300 = tpu.memref_slice %dma_wait3A_298[%run_scoped3A_146, %dma_wait3A_299] : memref<1x80xi32, #tpu.memory_space<vmem>> -> memref<1x80xi32, #tpu.memory_space<vmem>>
        %dma_wait3A_301 = tpu.memref_squeeze %dma_wait3A_300 : memref<1x80xi32, #tpu.memory_space<vmem>> -> memref<80xi32, #tpu.memory_space<vmem>>
        %dma_wait3A_302 = arith.constant 0 : i32
        %dma_wait3A_303 = arith.constant 0 : i32
        %dma_wait3A_304 = tpu.memref_slice %arg2[%dma_wait3A_302, %dma_wait3A_303] : memref<10000x128xf32, #tpu.memory_space<hbm>> -> memref<10000x128xf32, #tpu.memory_space<hbm>>
        tpu.wait_indirect_dma semaphore(%run_scoped3A_276 : memref<!tpu.dma_semaphore, #tpu.memory_space<semaphore_mem>>) src(%dma_wait3A_304 : memref<10000x128xf32, #tpu.memory_space<hbm>>) dst(%dma_wait3A_294 : memref<80x128xf32, #tpu.memory_space<vmem>>)
        tpu.yield
      }) : () -> ()
      "tpu.trace_stop"() : () -> ()
      %ne3A_147 = arith.cmpi ne, %add3A_72, %add3A_92 : i32
      %or3A_148 = arith.constant false
      %or3A_149 = arith.ori %or3A_148, %ne3A_147 : i1
      %or3A_150 = arith.constant false
      %or3A_151 = arith.ori %or3A_149, %or3A_150 : i1
      %or3A_152 = arith.ori %or3A_151, %eq3A_70 : i1
      %convert_element_type3A_153 = arith.extui %or3A_152 : i1 to i32
      %cond3A_154 = arith.constant 0 : i32
      %cond3A_155 = arith.cmpi ne, %convert_element_type3A_153, %cond3A_154 : i32
      scf.if %cond3A_155 {
      } else {
      }
      %and3A_156 = arith.constant false
      %and3A_157 = arith.andi %or3A_152, %and3A_156 : i1
      %ne3A_158 = arith.cmpi ne, %add3A_72, %add3A_92 : i32
      %or3A_159 = arith.constant false
      %or3A_160 = arith.ori %or3A_159, %ne3A_158 : i1
      %or3A_161 = arith.constant false
      %or3A_162 = arith.ori %or3A_160, %or3A_161 : i1
      %or3A_163 = arith.ori %or3A_162, %eq3A_70 : i1
      %convert_element_type3A_164 = arith.extui %or3A_163 : i1 to i32
      %cond3A_165 = arith.constant 0 : i32
      %cond3A_166 = arith.cmpi ne, %convert_element_type3A_164, %cond3A_165 : i32
      scf.if %cond3A_166 {
        "tpu.trace_start"() <{level = 10 : i32, message = "ep_copy_out"}> : () -> ()
        %rem3A_276 = arith.constant 2 : i32
        %rem3A_277 = arith.remui %scan3A_63, %rem3A_276 : i32
        %mul3A_278 = arith.constant 80 : i32
        %mul3A_279 = arith.muli %mul3A_278, %add3A_72 : i32
        %dma_start3A_280 = arith.constant 0 : i32
        %dma_start3A_281 = arith.constant 0 : i32
        %dma_start3A_282 = tpu.memref_slice %run_scoped3A_8[%rem3A_277, %dma_start3A_280, %dma_start3A_281] : memref<2x80x128xf32, #tpu.memory_space<vmem>> -> memref<1x80x128xf32, #tpu.memory_space<vmem>>
        %dma_start3A_283 = tpu.memref_squeeze %dma_start3A_282 : memref<1x80x128xf32, #tpu.memory_space<vmem>> -> memref<80x128xf32, #tpu.memory_space<vmem>>
        %dma_start3A_284 = arith.constant 0 : i32
        %dma_start3A_285 = tpu.memref_slice %arg4[%mul3A_279, %dma_start3A_284] : memref<2560x128xf32, #tpu.memory_space<hbm>> -> memref<80x128xf32, #tpu.memory_space<hbm>>
        %dma_start3A_286 = tpu.memref_slice %run_scoped3A_9[%rem3A_277] : memref<2x!tpu.dma_semaphore, #tpu.memory_space<semaphore_mem>> -> memref<1x!tpu.dma_semaphore, #tpu.memory_space<semaphore_mem>>
        %dma_start3A_287 = tpu.memref_squeeze %dma_start3A_286 : memref<1x!tpu.dma_semaphore, #tpu.memory_space<semaphore_mem>> -> memref<!tpu.dma_semaphore, #tpu.memory_space<semaphore_mem>>
        %dma_start3A_288 = arith.constant 0 : i32
        %dma_start3A_289 = tpu.memref_slice %arg4[%mul3A_279, %dma_start3A_288] : memref<2560x128xf32, #tpu.memory_space<hbm>> -> memref<80x128xf32, #tpu.memory_space<hbm>>
        %dma_start3A_290 = arith.constant 0 : i32
        %dma_start3A_291 = arith.constant 0 : i32
        %dma_start3A_292 = tpu.memref_slice %run_scoped3A_8[%rem3A_277, %dma_start3A_290, %dma_start3A_291] : memref<2x80x128xf32, #tpu.memory_space<vmem>> -> memref<1x80x128xf32, #tpu.memory_space<vmem>>
        %dma_start3A_293 = tpu.memref_squeeze %dma_start3A_292 : memref<1x80x128xf32, #tpu.memory_space<vmem>> -> memref<80x128xf32, #tpu.memory_space<vmem>>
        tpu.enqueue_dma source(%dma_start3A_293 : memref<80x128xf32, #tpu.memory_space<vmem>>) target(%dma_start3A_289 : memref<80x128xf32, #tpu.memory_space<hbm>>) target_semaphore(%dma_start3A_287 : memref<!tpu.dma_semaphore, #tpu.memory_space<semaphore_mem>>)
        "tpu.trace_stop"() : () -> ()
      } else {
      }
      %and3A_167 = arith.constant true
      %and3A_168 = arith.andi %or3A_163, %and3A_167 : i1
      %add3A_169 = arith.constant 1 : i32
      %add3A_170 = arith.addi %scan3A_63, %add3A_169 : i32
      %select_n3A_171 = arith.select %and3A_168, %add3A_170, %scan3A_63 : i32
      %ne3A_172 = arith.cmpi ne, %add3A_72, %add3A_82 : i32
      %or3A_173 = arith.constant false
      %or3A_174 = arith.ori %or3A_173, %ne3A_172 : i1
      %or3A_175 = arith.constant false
      %or3A_176 = arith.ori %or3A_174, %or3A_175 : i1
      %not3A_177 = arith.constant true
      %not3A_178 = arith.xori %eq3A_68, %not3A_177 : i1
      %and3A_179 = arith.andi %or3A_176, %not3A_178 : i1
      %convert_element_type3A_180 = arith.extui %and3A_179 : i1 to i32
      %cond3A_181 = arith.constant 0 : i32
      %cond3A_182 = arith.cmpi ne, %convert_element_type3A_180, %cond3A_181 : i32
      scf.if %cond3A_182 {
      } else {
      }
      %and3A_183 = arith.constant false
      %and3A_184 = arith.andi %and3A_179, %and3A_183 : i1
      %ne3A_185 = arith.cmpi ne, %add3A_72, %add3A_82 : i32
      %or3A_186 = arith.constant false
      %or3A_187 = arith.ori %or3A_186, %ne3A_185 : i1
      %or3A_188 = arith.constant false
      %or3A_189 = arith.ori %or3A_187, %or3A_188 : i1
      %not3A_190 = arith.constant true
      %not3A_191 = arith.xori %eq3A_68, %not3A_190 : i1
      %and3A_192 = arith.andi %or3A_189, %not3A_191 : i1
      %convert_element_type3A_193 = arith.extui %and3A_192 : i1 to i32
      %cond3A_194 = arith.constant 0 : i32
      %cond3A_195 = arith.cmpi ne, %convert_element_type3A_193, %cond3A_194 : i32
      scf.if %cond3A_195 {
        "tpu.trace_start"() <{level = 10 : i32, message = "ep_wait_out"}> : () -> ()
        %rem3A_276 = arith.constant 2 : i32
        %rem3A_277 = arith.remui %scan3A_64, %rem3A_276 : i32
        %mul3A_278 = arith.constant 80 : i32
        %mul3A_279 = arith.muli %mul3A_278, %add3A_82 : i32
        %dma_wait3A_280 = arith.constant 0 : i32
        %dma_wait3A_281 = arith.constant 0 : i32
        %dma_wait3A_282 = tpu.memref_slice %run_scoped3A_8[%rem3A_277, %dma_wait3A_280, %dma_wait3A_281] : memref<2x80x128xf32, #tpu.memory_space<vmem>> -> memref<1x80x128xf32, #tpu.memory_space<vmem>>
        %dma_wait3A_283 = tpu.memref_squeeze %dma_wait3A_282 : memref<1x80x128xf32, #tpu.memory_space<vmem>> -> memref<80x128xf32, #tpu.memory_space<vmem>>
        %dma_wait3A_284 = arith.constant 0 : i32
        %dma_wait3A_285 = tpu.memref_slice %arg4[%mul3A_279, %dma_wait3A_284] : memref<2560x128xf32, #tpu.memory_space<hbm>> -> memref<80x128xf32, #tpu.memory_space<hbm>>
        %dma_wait3A_286 = tpu.memref_slice %run_scoped3A_9[%rem3A_277] : memref<2x!tpu.dma_semaphore, #tpu.memory_space<semaphore_mem>> -> memref<1x!tpu.dma_semaphore, #tpu.memory_space<semaphore_mem>>
        %dma_wait3A_287 = tpu.memref_squeeze %dma_wait3A_286 : memref<1x!tpu.dma_semaphore, #tpu.memory_space<semaphore_mem>> -> memref<!tpu.dma_semaphore, #tpu.memory_space<semaphore_mem>>
        %dma_wait3A_288 = arith.constant 0 : i32
        %dma_wait3A_289 = tpu.memref_slice %arg4[%mul3A_279, %dma_wait3A_288] : memref<2560x128xf32, #tpu.memory_space<hbm>> -> memref<80x128xf32, #tpu.memory_space<hbm>>
        %dma_wait3A_290 = arith.constant 0 : i32
        %dma_wait3A_291 = arith.constant 0 : i32
        %dma_wait3A_292 = tpu.memref_slice %run_scoped3A_8[%rem3A_277, %dma_wait3A_290, %dma_wait3A_291] : memref<2x80x128xf32, #tpu.memory_space<vmem>> -> memref<1x80x128xf32, #tpu.memory_space<vmem>>
        %dma_wait3A_293 = tpu.memref_squeeze %dma_wait3A_292 : memref<1x80x128xf32, #tpu.memory_space<vmem>> -> memref<80x128xf32, #tpu.memory_space<vmem>>
        tpu.wait_dma2 semaphore(%dma_wait3A_287 : memref<!tpu.dma_semaphore, #tpu.memory_space<semaphore_mem>>) src(%dma_wait3A_293 : memref<80x128xf32, #tpu.memory_space<vmem>>) dst(%dma_wait3A_289 : memref<80x128xf32, #tpu.memory_space<hbm>>)
        "tpu.trace_stop"() : () -> ()
      } else {
      }
      %and3A_196 = arith.constant true
      %and3A_197 = arith.andi %and3A_192, %and3A_196 : i1
      %add3A_198 = arith.constant 1 : i32
      %add3A_199 = arith.addi %scan3A_64, %add3A_198 : i32
      %select_n3A_200 = arith.select %and3A_197, %add3A_199, %scan3A_64 : i32
      %ne3A_201 = arith.cmpi ne, %add3A_72, %add3A_92 : i32
      %or3A_202 = arith.constant false
      %or3A_203 = arith.ori %or3A_202, %ne3A_201 : i1
      %or3A_204 = arith.constant false
      %or3A_205 = arith.ori %or3A_203, %or3A_204 : i1
      %or3A_206 = arith.ori %or3A_205, %eq3A_70 : i1
      %add3A_207 = arith.constant 1 : i32
      %add3A_208 = arith.addi %scan3A, %add3A_207 : i32
      %select_n3A_209 = arith.select %or3A_206, %add3A_208, %scan3A : i32
      %select_n3A_210 = arith.constant true
      %select_n3A_211 = arith.constant 0 : i32
      %select_n3A_212 = arith.constant 1 : i32
      %select_n3A_213 = arith.select %select_n3A_210, %select_n3A_212, %select_n3A_211 : i32
      %eq3A_214 = arith.constant 1 : i32
      %eq3A_215 = arith.cmpi eq, %select_n3A_213, %eq3A_214 : i32
      %select_n3A_216 = arith.constant 0 : i32
      %select_n3A_217 = arith.select %eq3A_215, %select_n3A_216, %select_n3A_213 : i32
      %scan3A_218 = arith.constant 0 : i32
      %scan3A_219 = arith.constant 1 : i32
      %sub3A = arith.constant 1 : i32
      %sub3A_220 = arith.subi %scan3A_218, %sub3A : i32
      %select_n3A_221 = arith.constant true
      %select_n3A_222 = arith.select %select_n3A_221, %sub3A_220, %scan3A_218 : i32
      %eq3A_223 = arith.constant -1 : i32
      %eq3A_224 = arith.cmpi eq, %select_n3A_222, %eq3A_223 : i32
      %select_n3A_225 = arith.constant 0 : i32
      %select_n3A_226 = arith.select %eq3A_224, %select_n3A_225, %select_n3A_222 : i32
      %add3A_227 = arith.constant 0 : i32
      %add3A_228 = arith.addi %add3A_227, %mul3A_6 : i32
      %select_n3A_229 = arith.constant true
      %select_n3A_230 = arith.constant 0 : i32
      %select_n3A_231 = arith.constant -1 : i32
      %select_n3A_232 = arith.select %select_n3A_229, %select_n3A_231, %select_n3A_230 : i32
      %eq3A_233 = arith.constant -1 : i32
      %eq3A_234 = arith.cmpi eq, %select_n3A_232, %eq3A_233 : i32
      %select_n3A_235 = arith.constant 0 : i32
      %select_n3A_236 = arith.select %eq3A_234, %select_n3A_235, %select_n3A_232 : i32
      %add3A_237 = arith.constant 0 : i32
      %add3A_238 = arith.addi %add3A_237, %mul3A_6 : i32
      %select_n3A_239 = arith.constant true
      %select_n3A_240 = arith.constant 0 : i32
      %select_n3A_241 = arith.constant 1 : i32
      %select_n3A_242 = arith.select %select_n3A_239, %select_n3A_241, %select_n3A_240 : i32
      %eq3A_243 = arith.constant 1 : i32
      %eq3A_244 = arith.cmpi eq, %select_n3A_242, %eq3A_243 : i32
      %select_n3A_245 = arith.constant 0 : i32
      %select_n3A_246 = arith.select %eq3A_244, %select_n3A_245, %select_n3A_242 : i32
      %add3A_247 = arith.constant 0 : i32
      %add3A_248 = arith.addi %add3A_247, %mul3A_6 : i32
      %select_n3A_249 = arith.constant true
      %select_n3A_250 = arith.constant 0 : i32
      %select_n3A_251 = arith.constant 1 : i32
      %select_n3A_252 = arith.select %select_n3A_249, %select_n3A_251, %select_n3A_250 : i32
      %eq3A_253 = arith.constant 1 : i32
      %eq3A_254 = arith.cmpi eq, %select_n3A_252, %eq3A_253 : i32
      %select_n3A_255 = arith.constant 0 : i32
      %select_n3A_256 = arith.select %eq3A_254, %select_n3A_255, %select_n3A_252 : i32
      %add3A_257 = arith.constant 0 : i32
      %add3A_258 = arith.addi %add3A_257, %mul3A_6 : i32
      "tpu.trace_start"() <{level = 10 : i32, message = "ep_finalize"}> : () -> ()
      %rem3A_259 = arith.constant 2 : i32
      %rem3A_260 = arith.remui %select_n3A_200, %rem3A_259 : i32
      %mul3A_261 = arith.constant 80 : i32
      %mul3A_262 = arith.muli %mul3A_261, %add3A_228 : i32
      %dma_wait3A = arith.constant 0 : i32
      %dma_wait3A_263 = arith.constant 0 : i32
      %dma_wait3A_264 = tpu.memref_slice %run_scoped3A_8[%rem3A_260, %dma_wait3A, %dma_wait3A_263] : memref<2x80x128xf32, #tpu.memory_space<vmem>> -> memref<1x80x128xf32, #tpu.memory_space<vmem>>
      %dma_wait3A_265 = tpu.memref_squeeze %dma_wait3A_264 : memref<1x80x128xf32, #tpu.memory_space<vmem>> -> memref<80x128xf32, #tpu.memory_space<vmem>>
      %dma_wait3A_266 = arith.constant 0 : i32
      %dma_wait3A_267 = tpu.memref_slice %arg4[%mul3A_262, %dma_wait3A_266] : memref<2560x128xf32, #tpu.memory_space<hbm>> -> memref<80x128xf32, #tpu.memory_space<hbm>>
      %dma_wait3A_268 = tpu.memref_slice %run_scoped3A_9[%rem3A_260] : memref<2x!tpu.dma_semaphore, #tpu.memory_space<semaphore_mem>> -> memref<1x!tpu.dma_semaphore, #tpu.memory_space<semaphore_mem>>
      %dma_wait3A_269 = tpu.memref_squeeze %dma_wait3A_268 : memref<1x!tpu.dma_semaphore, #tpu.memory_space<semaphore_mem>> -> memref<!tpu.dma_semaphore, #tpu.memory_space<semaphore_mem>>
      %dma_wait3A_270 = arith.constant 0 : i32
      %dma_wait3A_271 = tpu.memref_slice %arg4[%mul3A_262, %dma_wait3A_270] : memref<2560x128xf32, #tpu.memory_space<hbm>> -> memref<80x128xf32, #tpu.memory_space<hbm>>
      %dma_wait3A_272 = arith.constant 0 : i32
      %dma_wait3A_273 = arith.constant 0 : i32
      %dma_wait3A_274 = tpu.memref_slice %run_scoped3A_8[%rem3A_260, %dma_wait3A_272, %dma_wait3A_273] : memref<2x80x128xf32, #tpu.memory_space<vmem>> -> memref<1x80x128xf32, #tpu.memory_space<vmem>>
      %dma_wait3A_275 = tpu.memref_squeeze %dma_wait3A_274 : memref<1x80x128xf32, #tpu.memory_space<vmem>> -> memref<80x128xf32, #tpu.memory_space<vmem>>
      tpu.wait_dma2 semaphore(%dma_wait3A_269 : memref<!tpu.dma_semaphore, #tpu.memory_space<semaphore_mem>>) src(%dma_wait3A_275 : memref<80x128xf32, #tpu.memory_space<vmem>>) dst(%dma_wait3A_271 : memref<80x128xf32, #tpu.memory_space<hbm>>)
      "tpu.trace_stop"() : () -> ()
      tpu.yield
    }) : () -> ()
    return
  }
}

#map = affine_map<(d0, d1) -> (0, 0)>
module attributes {stable_mosaic.version = 14 : i64} {
  func.func @kern(%arg0: i32, %arg1: i32, %arg2: memref<10000x128xf32, #tpu.memory_space<hbm>>, %arg3: memref<32x80xi32, #tpu.memory_space<hbm>>, %arg4: memref<2560x128xf32, #tpu.memory_space<hbm>>) attributes {dimension_semantics = [#tpu.dimension_semantics<core_parallel>, #tpu.dimension_semantics<subcore_parallel>], iteration_bounds = array<i64: 2, 16>, scalar_prefetch = 0 : i64, scratch_operands = 0 : i64, tpu.core_type = #tpu.core_type<sc_vector_subcore>, window_params = [{transform_indices = #map}, {transform_indices = #map}, {transform_indices = #map}]} {
    %mul3A = arith.constant 1 : i32
    %mul3A_0 = arith.muli %arg1, %mul3A : i32
    %add3A = arith.constant 0 : i32
    %add3A_1 = arith.addi %add3A, %mul3A_0 : i32
    %mul3A_2 = arith.constant 16 : i32
    %mul3A_3 = arith.muli %arg0, %mul3A_2 : i32
    %add3A_4 = arith.addi %add3A_1, %mul3A_3 : i32
    %mul3A_5 = arith.constant 1 : i32
    %mul3A_6 = arith.muli %add3A_4, %mul3A_5 : i32
    "tpu.region"() ({
      %run_scoped3A = memref.alloca() : memref<2x1x80xi32, #tpu.memory_space<vmem>>
      %run_scoped3A_7 = tpu.sem_alloc : memref<2x!tpu.dma_semaphore, #tpu.memory_space<semaphore_mem>>
      %run_scoped3A_8 = memref.alloca() : memref<2x80x128xf32, #tpu.memory_space<vmem>>
      %run_scoped3A_9 = tpu.sem_alloc : memref<2x!tpu.dma_semaphore, #tpu.memory_space<semaphore_mem>>
      %add3A_10 = arith.constant 0 : i32
      %add3A_11 = arith.addi %add3A_10, %mul3A_6 : i32
      %select_n3A = arith.constant true
      %select_n3A_12 = arith.constant 0 : i32
      %select_n3A_13 = arith.constant -1 : i32
      %select_n3A_14 = arith.select %select_n3A, %select_n3A_13, %select_n3A_12 : i32
      %eq3A = arith.constant -1 : i32
      %eq3A_15 = arith.cmpi eq, %select_n3A_14, %eq3A : i32
      %select_n3A_16 = arith.constant 0 : i32
      %select_n3A_17 = arith.select %eq3A_15, %select_n3A_16, %select_n3A_14 : i32
      %add3A_18 = arith.constant 0 : i32
      %add3A_19 = arith.addi %add3A_18, %mul3A_6 : i32
      %select_n3A_20 = arith.constant true
      %select_n3A_21 = arith.constant 0 : i32
      %select_n3A_22 = arith.constant 1 : i32
      %select_n3A_23 = arith.select %select_n3A_20, %select_n3A_22, %select_n3A_21 : i32
      %eq3A_24 = arith.constant 1 : i32
      %eq3A_25 = arith.cmpi eq, %select_n3A_23, %eq3A_24 : i32
      %select_n3A_26 = arith.constant 0 : i32
      %select_n3A_27 = arith.select %eq3A_25, %select_n3A_26, %select_n3A_23 : i32
      %add3A_28 = arith.constant 0 : i32
      %add3A_29 = arith.addi %add3A_28, %mul3A_6 : i32
      %select_n3A_30 = arith.constant true
      %select_n3A_31 = arith.constant 0 : i32
      %select_n3A_32 = arith.constant 1 : i32
      %select_n3A_33 = arith.select %select_n3A_30, %select_n3A_32, %select_n3A_31 : i32
      %eq3A_34 = arith.constant 1 : i32
      %eq3A_35 = arith.cmpi eq, %select_n3A_33, %eq3A_34 : i32
      %select_n3A_36 = arith.constant 0 : i32
      %select_n3A_37 = arith.select %eq3A_35, %select_n3A_36, %select_n3A_33 : i32
      %add3A_38 = arith.constant 0 : i32
      %add3A_39 = arith.addi %add3A_38, %mul3A_6 : i32
      "tpu.trace_start"() <{level = 10 : i32, message = "ep_initialize_0"}> : () -> ()
      %rem3A = arith.constant 0 : i32
      %rem3A_40 = arith.constant 2 : i32
      %rem3A_41 = arith.remui %rem3A, %rem3A_40 : i32
      %mul3A_42 = arith.constant 1 : i32
      %mul3A_43 = arith.muli %mul3A_42, %add3A_11 : i32
      %dma_start3A = arith.constant 0 : i32
      %dma_start3A_44 = arith.constant 0 : i32
      %dma_start3A_45 = tpu.memref_slice %run_scoped3A[%rem3A_41, %dma_start3A, %dma_start3A_44] : memref<2x1x80xi32, #tpu.memory_space<vmem>> -> memref<1x1x80xi32, #tpu.memory_space<vmem>>
      %dma_start3A_46 = tpu.memref_squeeze %dma_start3A_45 : memref<1x1x80xi32, #tpu.memory_space<vmem>> -> memref<1x80xi32, #tpu.memory_space<vmem>>
      %dma_start3A_47 = arith.constant 0 : i32
      %dma_start3A_48 = tpu.memref_slice %arg3[%mul3A_43, %dma_start3A_47] : memref<32x80xi32, #tpu.memory_space<hbm>> -> memref<1x80xi32, #tpu.memory_space<hbm>>
      %dma_start3A_49 = tpu.memref_slice %run_scoped3A_7[%rem3A_41] : memref<2x!tpu.dma_semaphore, #tpu.memory_space<semaphore_mem>> -> memref<1x!tpu.dma_semaphore, #tpu.memory_space<semaphore_mem>>
      %dma_start3A_50 = tpu.memref_squeeze %dma_start3A_49 : memref<1x!tpu.dma_semaphore, #tpu.memory_space<semaphore_mem>> -> memref<!tpu.dma_semaphore, #tpu.memory_space<semaphore_mem>>
      %dma_start3A_51 = arith.constant 0 : i32
      %dma_start3A_52 = arith.constant 0 : i32
      %dma_start3A_53 = tpu.memref_slice %run_scoped3A[%rem3A_41, %dma_start3A_51, %dma_start3A_52] : memref<2x1x80xi32, #tpu.memory_space<vmem>> -> memref<1x1x80xi32, #tpu.memory_space<vmem>>
      %dma_start3A_54 = tpu.memref_squeeze %dma_start3A_53 : memref<1x1x80xi32, #tpu.memory_space<vmem>> -> memref<1x80xi32, #tpu.memory_space<vmem>>
      %dma_start3A_55 = arith.constant 0 : i32
      %dma_start3A_56 = tpu.memref_slice %arg3[%mul3A_43, %dma_start3A_55] : memref<32x80xi32, #tpu.memory_space<hbm>> -> memref<1x80xi32, #tpu.memory_space<hbm>>
      tpu.enqueue_dma source(%dma_start3A_56 : memref<1x80xi32, #tpu.memory_space<hbm>>) target(%dma_start3A_54 : memref<1x80xi32, #tpu.memory_space<vmem>>) target_semaphore(%dma_start3A_50 : memref<!tpu.dma_semaphore, #tpu.memory_space<semaphore_mem>>)
      %add3A_57 = arith.constant 0 : i32
      %add3A_58 = arith.constant 1 : i32
      %add3A_59 = arith.addi %add3A_57, %add3A_58 : i32
      %select_n3A_60 = arith.constant true
      %select_n3A_61 = arith.constant 0 : i32
      %select_n3A_62 = arith.select %select_n3A_60, %add3A_59, %select_n3A_61 : i32
      "tpu.trace_stop"() : () -> ()
      %scan3A = arith.constant 0 : i32
      %scan3A_63 = arith.constant 0 : i32
      %scan3A_64 = arith.constant 0 : i32
      %scan3A_65 = arith.constant 0 : i32
      %scan3A_66 = arith.constant 0 : i32
      %eq3A_67 = arith.constant 0 : i32
      %eq3A_68 = arith.cmpi eq, %scan3A_66, %eq3A_67 : i32
      %eq3A_69 = arith.constant 0 : i32
      %eq3A_70 = arith.cmpi eq, %scan3A_66, %eq3A_69 : i32
      %add3A_71 = arith.constant 0 : i32
      %add3A_72 = arith.addi %add3A_71, %mul3A_6 : i32
      %select_n3A_73 = arith.constant true
      %select_n3A_74 = arith.constant 0 : i32
      %select_n3A_75 = arith.constant -1 : i32
      %select_n3A_76 = arith.select %select_n3A_73, %select_n3A_75, %select_n3A_74 : i32
      %eq3A_77 = arith.constant -1 : i32
      %eq3A_78 = arith.cmpi eq, %select_n3A_76, %eq3A_77 : i32
      %select_n3A_79 = arith.constant 0 : i32
      %select_n3A_80 = arith.select %eq3A_78, %select_n3A_79, %select_n3A_76 : i32
      %add3A_81 = arith.constant 0 : i32
      %add3A_82 = arith.addi %add3A_81, %mul3A_6 : i32
      %select_n3A_83 = arith.constant true
      %select_n3A_84 = arith.constant 0 : i32
      %select_n3A_85 = arith.constant 1 : i32
      %select_n3A_86 = arith.select %select_n3A_83, %select_n3A_85, %select_n3A_84 : i32
      %eq3A_87 = arith.constant 1 : i32
      %eq3A_88 = arith.cmpi eq, %select_n3A_86, %eq3A_87 : i32
      %select_n3A_89 = arith.constant 0 : i32
      %select_n3A_90 = arith.select %eq3A_88, %select_n3A_89, %select_n3A_86 : i32
      %add3A_91 = arith.constant 0 : i32
      %add3A_92 = arith.addi %add3A_91, %mul3A_6 : i32
      %select_n3A_93 = arith.constant true
      %select_n3A_94 = arith.constant 0 : i32
      %select_n3A_95 = arith.constant 1 : i32
      %select_n3A_96 = arith.select %select_n3A_93, %select_n3A_95, %select_n3A_94 : i32
      %eq3A_97 = arith.constant 1 : i32
      %eq3A_98 = arith.cmpi eq, %select_n3A_96, %eq3A_97 : i32
      %select_n3A_99 = arith.constant 0 : i32
      %select_n3A_100 = arith.select %eq3A_98, %select_n3A_99, %select_n3A_96 : i32
      %add3A_101 = arith.constant 0 : i32
      %add3A_102 = arith.addi %add3A_101, %mul3A_6 : i32
      %ne3A = arith.cmpi ne, %add3A_72, %add3A_92 : i32
      %or3A = arith.constant false
      %or3A_103 = arith.ori %or3A, %ne3A : i1
      %or3A_104 = arith.constant false
      %or3A_105 = arith.ori %or3A_103, %or3A_104 : i1
      %ge3A = arith.constant 0 : i32
      %ge3A_106 = arith.cmpi sge, %scan3A_66, %ge3A : i32
      %not3A = arith.constant true
      %not3A_107 = arith.xori %ge3A_106, %not3A : i1
      %and3A = arith.andi %or3A_105, %not3A_107 : i1
      %convert_element_type3A = arith.extui %and3A : i1 to i32
      %cond3A = arith.constant 0 : i32
      %cond3A_108 = arith.cmpi ne, %convert_element_type3A, %cond3A : i32
      scf.if %cond3A_108 {
        "tpu.trace_start"() <{level = 10 : i32, message = "ep_copy_in"}> : () -> ()
        %rem3A_276 = arith.constant 2 : i32
        %rem3A_277 = arith.remui %select_n3A_62, %rem3A_276 : i32
        %mul3A_278 = arith.constant 1 : i32
        %mul3A_279 = arith.muli %mul3A_278, %add3A_92 : i32
        %dma_start3A_280 = arith.constant 0 : i32
        %dma_start3A_281 = arith.constant 0 : i32
        %dma_start3A_282 = tpu.memref_slice %run_scoped3A[%rem3A_277, %dma_start3A_280, %dma_start3A_281] : memref<2x1x80xi32, #tpu.memory_space<vmem>> -> memref<1x1x80xi32, #tpu.memory_space<vmem>>
        %dma_start3A_283 = tpu.memref_squeeze %dma_start3A_282 : memref<1x1x80xi32, #tpu.memory_space<vmem>> -> memref<1x80xi32, #tpu.memory_space<vmem>>
        %dma_start3A_284 = arith.constant 0 : i32
        %dma_start3A_285 = tpu.memref_slice %arg3[%mul3A_279, %dma_start3A_284] : memref<32x80xi32, #tpu.memory_space<hbm>> -> memref<1x80xi32, #tpu.memory_space<hbm>>
        %dma_start3A_286 = tpu.memref_slice %run_scoped3A_7[%rem3A_277] : memref<2x!tpu.dma_semaphore, #tpu.memory_space<semaphore_mem>> -> memref<1x!tpu.dma_semaphore, #tpu.memory_space<semaphore_mem>>
        %dma_start3A_287 = tpu.memref_squeeze %dma_start3A_286 : memref<1x!tpu.dma_semaphore, #tpu.memory_space<semaphore_mem>> -> memref<!tpu.dma_semaphore, #tpu.memory_space<semaphore_mem>>
        %dma_start3A_288 = arith.constant 0 : i32
        %dma_start3A_289 = arith.constant 0 : i32
        %dma_start3A_290 = tpu.memref_slice %run_scoped3A[%rem3A_277, %dma_start3A_288, %dma_start3A_289] : memref<2x1x80xi32, #tpu.memory_space<vmem>> -> memref<1x1x80xi32, #tpu.memory_space<vmem>>
        %dma_start3A_291 = tpu.memref_squeeze %dma_start3A_290 : memref<1x1x80xi32, #tpu.memory_space<vmem>> -> memref<1x80xi32, #tpu.memory_space<vmem>>
        %dma_start3A_292 = arith.constant 0 : i32
        %dma_start3A_293 = tpu.memref_slice %arg3[%mul3A_279, %dma_start3A_292] : memref<32x80xi32, #tpu.memory_space<hbm>> -> memref<1x80xi32, #tpu.memory_space<hbm>>
        tpu.enqueue_dma source(%dma_start3A_293 : memref<1x80xi32, #tpu.memory_space<hbm>>) target(%dma_start3A_291 : memref<1x80xi32, #tpu.memory_space<vmem>>) target_semaphore(%dma_start3A_287 : memref<!tpu.dma_semaphore, #tpu.memory_space<semaphore_mem>>)
        "tpu.trace_stop"() : () -> ()
      } else {
      }
      %and3A_109 = arith.constant true
      %and3A_110 = arith.andi %and3A, %and3A_109 : i1
      %add3A_111 = arith.constant 1 : i32
      %add3A_112 = arith.addi %select_n3A_62, %add3A_111 : i32
      %select_n3A_113 = arith.select %and3A_110, %add3A_112, %select_n3A_62 : i32
      %ne3A_114 = arith.cmpi ne, %add3A_72, %add3A_92 : i32
      %or3A_115 = arith.constant false
      %or3A_116 = arith.ori %or3A_115, %ne3A_114 : i1
      %or3A_117 = arith.constant false
      %or3A_118 = arith.ori %or3A_116, %or3A_117 : i1
      %ge3A_119 = arith.constant 0 : i32
      %ge3A_120 = arith.cmpi sge, %scan3A_66, %ge3A_119 : i32
      %not3A_121 = arith.constant true
      %not3A_122 = arith.xori %ge3A_120, %not3A_121 : i1
      %and3A_123 = arith.andi %or3A_118, %not3A_122 : i1
      %ne3A_124 = arith.cmpi ne, %add3A_72, %add3A_82 : i32
      %or3A_125 = arith.constant false
      %or3A_126 = arith.ori %or3A_125, %ne3A_124 : i1
      %or3A_127 = arith.constant false
      %or3A_128 = arith.ori %or3A_126, %or3A_127 : i1
      %or3A_129 = arith.ori %or3A_128, %eq3A_68 : i1
      %convert_element_type3A_130 = arith.extui %or3A_129 : i1 to i32
      %cond3A_131 = arith.constant 0 : i32
      %cond3A_132 = arith.cmpi ne, %convert_element_type3A_130, %cond3A_131 : i32
      scf.if %cond3A_132 {
        "tpu.trace_start"() <{level = 10 : i32, message = "ep_wait_in"}> : () -> ()
        %mul3A_276 = arith.constant 1 : i32
        %mul3A_277 = arith.muli %mul3A_276, %add3A_72 : i32
        %rem3A_278 = arith.constant 2 : i32
        %rem3A_279 = arith.remui %scan3A, %rem3A_278 : i32
        %dma_wait3A_280 = arith.constant 0 : i32
        %dma_wait3A_281 = arith.constant 0 : i32
        %dma_wait3A_282 = tpu.memref_slice %run_scoped3A[%rem3A_279, %dma_wait3A_280, %dma_wait3A_281] : memref<2x1x80xi32, #tpu.memory_space<vmem>> -> memref<1x1x80xi32, #tpu.memory_space<vmem>>
        %dma_wait3A_283 = tpu.memref_squeeze %dma_wait3A_282 : memref<1x1x80xi32, #tpu.memory_space<vmem>> -> memref<1x80xi32, #tpu.memory_space<vmem>>
        %dma_wait3A_284 = arith.constant 0 : i32
        %dma_wait3A_285 = tpu.memref_slice %arg3[%mul3A_277, %dma_wait3A_284] : memref<32x80xi32, #tpu.memory_space<hbm>> -> memref<1x80xi32, #tpu.memory_space<hbm>>
        %dma_wait3A_286 = tpu.memref_slice %run_scoped3A_7[%rem3A_279] : memref<2x!tpu.dma_semaphore, #tpu.memory_space<semaphore_mem>> -> memref<1x!tpu.dma_semaphore, #tpu.memory_space<semaphore_mem>>
        %dma_wait3A_287 = tpu.memref_squeeze %dma_wait3A_286 : memref<1x!tpu.dma_semaphore, #tpu.memory_space<semaphore_mem>> -> memref<!tpu.dma_semaphore, #tpu.memory_space<semaphore_mem>>
        %dma_wait3A_288 = arith.constant 0 : i32
        %dma_wait3A_289 = arith.constant 0 : i32
        %dma_wait3A_290 = tpu.memref_slice %run_scoped3A[%rem3A_279, %dma_wait3A_288, %dma_wait3A_289] : memref<2x1x80xi32, #tpu.memory_space<vmem>> -> memref<1x1x80xi32, #tpu.memory_space<vmem>>
        %dma_wait3A_291 = tpu.memref_squeeze %dma_wait3A_290 : memref<1x1x80xi32, #tpu.memory_space<vmem>> -> memref<1x80xi32, #tpu.memory_space<vmem>>
        %dma_wait3A_292 = arith.constant 0 : i32
        %dma_wait3A_293 = tpu.memref_slice %arg3[%mul3A_277, %dma_wait3A_292] : memref<32x80xi32, #tpu.memory_space<hbm>> -> memref<1x80xi32, #tpu.memory_space<hbm>>
        tpu.wait_dma2 semaphore(%dma_wait3A_287 : memref<!tpu.dma_semaphore, #tpu.memory_space<semaphore_mem>>) src(%dma_wait3A_293 : memref<1x80xi32, #tpu.memory_space<hbm>>) dst(%dma_wait3A_291 : memref<1x80xi32, #tpu.memory_space<vmem>>)
        "tpu.trace_stop"() : () -> ()
      } else {
      }
      %ne3A_133 = arith.cmpi ne, %add3A_72, %add3A_82 : i32
      %or3A_134 = arith.constant false
      %or3A_135 = arith.ori %or3A_134, %ne3A_133 : i1
      %or3A_136 = arith.constant false
      %or3A_137 = arith.ori %or3A_135, %or3A_136 : i1
      %or3A_138 = arith.ori %or3A_137, %eq3A_68 : i1
      %convert_element_type3A_139 = arith.extui %or3A_138 : i1 to i32
      %cond3A_140 = arith.constant 0 : i32
      %cond3A_141 = arith.cmpi ne, %convert_element_type3A_139, %cond3A_140 : i32
      scf.if %cond3A_141 {
      } else {
      }
      %rem3A_142 = arith.constant 2 : i32
      %rem3A_143 = arith.remui %scan3A, %rem3A_142 : i32
      %rem3A_144 = arith.constant 2 : i32
      %rem3A_145 = arith.remui %scan3A_63, %rem3A_144 : i32
      %run_scoped3A_146 = arith.constant 0 : i32
      "tpu.trace_start"() <{level = 10 : i32, message = "ep_run_kernel"}> : () -> ()
      "tpu.region"() ({
        %run_scoped3A_276 = tpu.sem_alloc : memref<!tpu.dma_semaphore, #tpu.memory_space<semaphore_mem>>
        %dma_start3A_277 = arith.constant 0 : i32
        %dma_start3A_278 = arith.constant 0 : i32
        %dma_start3A_279 = tpu.memref_slice %run_scoped3A_8[%rem3A_145, %dma_start3A_277, %dma_start3A_278] : memref<2x80x128xf32, #tpu.memory_space<vmem>> -> memref<1x80x128xf32, #tpu.memory_space<vmem>>
        %dma_start3A_280 = tpu.memref_squeeze %dma_start3A_279 : memref<1x80x128xf32, #tpu.memory_space<vmem>> -> memref<80x128xf32, #tpu.memory_space<vmem>>
        %dma_start3A_281 = arith.constant 0 : i32
        %dma_start3A_282 = arith.constant 0 : i32
        %dma_start3A_283 = tpu.memref_slice %run_scoped3A[%rem3A_143, %dma_start3A_281, %dma_start3A_282] : memref<2x1x80xi32, #tpu.memory_space<vmem>> -> memref<1x1x80xi32, #tpu.memory_space<vmem>>
        %dma_start3A_284 = tpu.memref_squeeze %dma_start3A_283 : memref<1x1x80xi32, #tpu.memory_space<vmem>> -> memref<1x80xi32, #tpu.memory_space<vmem>>
        %dma_start3A_285 = arith.constant 0 : i32
        %dma_start3A_286 = tpu.memref_slice %dma_start3A_284[%run_scoped3A_146, %dma_start3A_285] : memref<1x80xi32, #tpu.memory_space<vmem>> -> memref<1x80xi32, #tpu.memory_space<vmem>>
        %dma_start3A_287 = tpu.memref_squeeze %dma_start3A_286 : memref<1x80xi32, #tpu.memory_space<vmem>> -> memref<80xi32, #tpu.memory_space<vmem>>
        %dma_start3A_288 = arith.constant 0 : i32
        %dma_start3A_289 = arith.constant 0 : i32
        %dma_start3A_290 = tpu.memref_slice %arg2[%dma_start3A_288, %dma_start3A_289] : memref<10000x128xf32, #tpu.memory_space<hbm>> -> memref<10000x128xf32, #tpu.memory_space<hbm>>
        tpu.enqueue_indirect_dma source(%dma_start3A_290 : memref<10000x128xf32, #tpu.memory_space<hbm>>) target(%dma_start3A_280 : memref<80x128xf32, #tpu.memory_space<vmem>>) offsets(%dma_start3A_287 : memref<80xi32, #tpu.memory_space<vmem>>) semaphore(%run_scoped3A_276 : memref<!tpu.dma_semaphore, #tpu.memory_space<semaphore_mem>>)
        %dma_wait3A_291 = arith.constant 0 : i32
        %dma_wait3A_292 = arith.constant 0 : i32
        %dma_wait3A_293 = tpu.memref_slice %run_scoped3A_8[%rem3A_145, %dma_wait3A_291, %dma_wait3A_292] : memref<2x80x128xf32, #tpu.memory_space<vmem>> -> memref<1x80x128xf32, #tpu.memory_space<vmem>>
        %dma_wait3A_294 = tpu.memref_squeeze %dma_wait3A_293 : memref<1x80x128xf32, #tpu.memory_space<vmem>> -> memref<80x128xf32, #tpu.memory_space<vmem>>
        %dma_wait3A_295 = arith.constant 0 : i32
        %dma_wait3A_296 = arith.constant 0 : i32
        %dma_wait3A_297 = tpu.memref_slice %run_scoped3A[%rem3A_143, %dma_wait3A_295, %dma_wait3A_296] : memref<2x1x80xi32, #tpu.memory_space<vmem>> -> memref<1x1x80xi32, #tpu.memory_space<vmem>>
        %dma_wait3A_298 = tpu.memref_squeeze %dma_wait3A_297 : memref<1x1x80xi32, #tpu.memory_space<vmem>> -> memref<1x80xi32, #tpu.memory_space<vmem>>
        %dma_wait3A_299 = arith.constant 0 : i32
        %dma_wait3A_300 = tpu.memref_slice %dma_wait3A_298[%run_scoped3A_146, %dma_wait3A_299] : memref<1x80xi32, #tpu.memory_space<vmem>> -> memref<1x80xi32, #tpu.memory_space<vmem>>
        %dma_wait3A_301 = tpu.memref_squeeze %dma_wait3A_300 : memref<1x80xi32, #tpu.memory_space<vmem>> -> memref<80xi32, #tpu.memory_space<vmem>>
        %dma_wait3A_302 = arith.constant 0 : i32
        %dma_wait3A_303 = arith.constant 0 : i32
        %dma_wait3A_304 = tpu.memref_slice %arg2[%dma_wait3A_302, %dma_wait3A_303] : memref<10000x128xf32, #tpu.memory_space<hbm>> -> memref<10000x128xf32, #tpu.memory_space<hbm>>
        tpu.wait_indirect_dma semaphore(%run_scoped3A_276 : memref<!tpu.dma_semaphore, #tpu.memory_space<semaphore_mem>>) src(%dma_wait3A_304 : memref<10000x128xf32, #tpu.memory_space<hbm>>) dst(%dma_wait3A_294 : memref<80x128xf32, #tpu.memory_space<vmem>>)
        tpu.yield
      }) : () -> ()
      "tpu.trace_stop"() : () -> ()
      %ne3A_147 = arith.cmpi ne, %add3A_72, %add3A_92 : i32
      %or3A_148 = arith.constant false
      %or3A_149 = arith.ori %or3A_148, %ne3A_147 : i1
      %or3A_150 = arith.constant false
      %or3A_151 = arith.ori %or3A_149, %or3A_150 : i1
      %or3A_152 = arith.ori %or3A_151, %eq3A_70 : i1
      %convert_element_type3A_153 = arith.extui %or3A_152 : i1 to i32
      %cond3A_154 = arith.constant 0 : i32
      %cond3A_155 = arith.cmpi ne, %convert_element_type3A_153, %cond3A_154 : i32
      scf.if %cond3A_155 {
      } else {
      }
      %and3A_156 = arith.constant false
      %and3A_157 = arith.andi %or3A_152, %and3A_156 : i1
      %ne3A_158 = arith.cmpi ne, %add3A_72, %add3A_92 : i32
      %or3A_159 = arith.constant false
      %or3A_160 = arith.ori %or3A_159, %ne3A_158 : i1
      %or3A_161 = arith.constant false
      %or3A_162 = arith.ori %or3A_160, %or3A_161 : i1
      %or3A_163 = arith.ori %or3A_162, %eq3A_70 : i1
      %convert_element_type3A_164 = arith.extui %or3A_163 : i1 to i32
      %cond3A_165 = arith.constant 0 : i32
      %cond3A_166 = arith.cmpi ne, %convert_element_type3A_164, %cond3A_165 : i32
      scf.if %cond3A_166 {
        "tpu.trace_start"() <{level = 10 : i32, message = "ep_copy_out"}> : () -> ()
        %rem3A_276 = arith.constant 2 : i32
        %rem3A_277 = arith.remui %scan3A_63, %rem3A_276 : i32
        %mul3A_278 = arith.constant 80 : i32
        %mul3A_279 = arith.muli %mul3A_278, %add3A_72 : i32
        %dma_start3A_280 = arith.constant 0 : i32
        %dma_start3A_281 = arith.constant 0 : i32
        %dma_start3A_282 = tpu.memref_slice %run_scoped3A_8[%rem3A_277, %dma_start3A_280, %dma_start3A_281] : memref<2x80x128xf32, #tpu.memory_space<vmem>> -> memref<1x80x128xf32, #tpu.memory_space<vmem>>
        %dma_start3A_283 = tpu.memref_squeeze %dma_start3A_282 : memref<1x80x128xf32, #tpu.memory_space<vmem>> -> memref<80x128xf32, #tpu.memory_space<vmem>>
        %dma_start3A_284 = arith.constant 0 : i32
        %dma_start3A_285 = tpu.memref_slice %arg4[%mul3A_279, %dma_start3A_284] : memref<2560x128xf32, #tpu.memory_space<hbm>> -> memref<80x128xf32, #tpu.memory_space<hbm>>
        %dma_start3A_286 = tpu.memref_slice %run_scoped3A_9[%rem3A_277] : memref<2x!tpu.dma_semaphore, #tpu.memory_space<semaphore_mem>> -> memref<1x!tpu.dma_semaphore, #tpu.memory_space<semaphore_mem>>
        %dma_start3A_287 = tpu.memref_squeeze %dma_start3A_286 : memref<1x!tpu.dma_semaphore, #tpu.memory_space<semaphore_mem>> -> memref<!tpu.dma_semaphore, #tpu.memory_space<semaphore_mem>>
        %dma_start3A_288 = arith.constant 0 : i32
        %dma_start3A_289 = tpu.memref_slice %arg4[%mul3A_279, %dma_start3A_288] : memref<2560x128xf32, #tpu.memory_space<hbm>> -> memref<80x128xf32, #tpu.memory_space<hbm>>
        %dma_start3A_290 = arith.constant 0 : i32
        %dma_start3A_291 = arith.constant 0 : i32
        %dma_start3A_292 = tpu.memref_slice %run_scoped3A_8[%rem3A_277, %dma_start3A_290, %dma_start3A_291] : memref<2x80x128xf32, #tpu.memory_space<vmem>> -> memref<1x80x128xf32, #tpu.memory_space<vmem>>
        %dma_start3A_293 = tpu.memref_squeeze %dma_start3A_292 : memref<1x80x128xf32, #tpu.memory_space<vmem>> -> memref<80x128xf32, #tpu.memory_space<vmem>>
        tpu.enqueue_dma source(%dma_start3A_293 : memref<80x128xf32, #tpu.memory_space<vmem>>) target(%dma_start3A_289 : memref<80x128xf32, #tpu.memory_space<hbm>>) target_semaphore(%dma_start3A_287 : memref<!tpu.dma_semaphore, #tpu.memory_space<semaphore_mem>>)
        "tpu.trace_stop"() : () -> ()
      } else {
      }
      %and3A_167 = arith.constant true
      %and3A_168 = arith.andi %or3A_163, %and3A_167 : i1
      %add3A_169 = arith.constant 1 : i32
      %add3A_170 = arith.addi %scan3A_63, %add3A_169 : i32
      %select_n3A_171 = arith.select %and3A_168, %add3A_170, %scan3A_63 : i32
      %ne3A_172 = arith.cmpi ne, %add3A_72, %add3A_82 : i32
      %or3A_173 = arith.constant false
      %or3A_174 = arith.ori %or3A_173, %ne3A_172 : i1
      %or3A_175 = arith.constant false
      %or3A_176 = arith.ori %or3A_174, %or3A_175 : i1
      %not3A_177 = arith.constant true
      %not3A_178 = arith.xori %eq3A_68, %not3A_177 : i1
      %and3A_179 = arith.andi %or3A_176, %not3A_178 : i1
      %convert_element_type3A_180 = arith.extui %and3A_179 : i1 to i32
      %cond3A_181 = arith.constant 0 : i32
      %cond3A_182 = arith.cmpi ne, %convert_element_type3A_180, %cond3A_181 : i32
      scf.if %cond3A_182 {
      } else {
      }
      %and3A_183 = arith.constant false
      %and3A_184 = arith.andi %and3A_179, %and3A_183 : i1
      %ne3A_185 = arith.cmpi ne, %add3A_72, %add3A_82 : i32
      %or3A_186 = arith.constant false
      %or3A_187 = arith.ori %or3A_186, %ne3A_185 : i1
      %or3A_188 = arith.constant false
      %or3A_189 = arith.ori %or3A_187, %or3A_188 : i1
      %not3A_190 = arith.constant true
      %not3A_191 = arith.xori %eq3A_68, %not3A_190 : i1
      %and3A_192 = arith.andi %or3A_189, %not3A_191 : i1
      %convert_element_type3A_193 = arith.extui %and3A_192 : i1 to i32
      %cond3A_194 = arith.constant 0 : i32
      %cond3A_195 = arith.cmpi ne, %convert_element_type3A_193, %cond3A_194 : i32
      scf.if %cond3A_195 {
        "tpu.trace_start"() <{level = 10 : i32, message = "ep_wait_out"}> : () -> ()
        %rem3A_276 = arith.constant 2 : i32
        %rem3A_277 = arith.remui %scan3A_64, %rem3A_276 : i32
        %mul3A_278 = arith.constant 80 : i32
        %mul3A_279 = arith.muli %mul3A_278, %add3A_82 : i32
        %dma_wait3A_280 = arith.constant 0 : i32
        %dma_wait3A_281 = arith.constant 0 : i32
        %dma_wait3A_282 = tpu.memref_slice %run_scoped3A_8[%rem3A_277, %dma_wait3A_280, %dma_wait3A_281] : memref<2x80x128xf32, #tpu.memory_space<vmem>> -> memref<1x80x128xf32, #tpu.memory_space<vmem>>
        %dma_wait3A_283 = tpu.memref_squeeze %dma_wait3A_282 : memref<1x80x128xf32, #tpu.memory_space<vmem>> -> memref<80x128xf32, #tpu.memory_space<vmem>>
        %dma_wait3A_284 = arith.constant 0 : i32
        %dma_wait3A_285 = tpu.memref_slice %arg4[%mul3A_279, %dma_wait3A_284] : memref<2560x128xf32, #tpu.memory_space<hbm>> -> memref<80x128xf32, #tpu.memory_space<hbm>>
        %dma_wait3A_286 = tpu.memref_slice %run_scoped3A_9[%rem3A_277] : memref<2x!tpu.dma_semaphore, #tpu.memory_space<semaphore_mem>> -> memref<1x!tpu.dma_semaphore, #tpu.memory_space<semaphore_mem>>
        %dma_wait3A_287 = tpu.memref_squeeze %dma_wait3A_286 : memref<1x!tpu.dma_semaphore, #tpu.memory_space<semaphore_mem>> -> memref<!tpu.dma_semaphore, #tpu.memory_space<semaphore_mem>>
        %dma_wait3A_288 = arith.constant 0 : i32
        %dma_wait3A_289 = tpu.memref_slice %arg4[%mul3A_279, %dma_wait3A_288] : memref<2560x128xf32, #tpu.memory_space<hbm>> -> memref<80x128xf32, #tpu.memory_space<hbm>>
        %dma_wait3A_290 = arith.constant 0 : i32
        %dma_wait3A_291 = arith.constant 0 : i32
        %dma_wait3A_292 = tpu.memref_slice %run_scoped3A_8[%rem3A_277, %dma_wait3A_290, %dma_wait3A_291] : memref<2x80x128xf32, #tpu.memory_space<vmem>> -> memref<1x80x128xf32, #tpu.memory_space<vmem>>
        %dma_wait3A_293 = tpu.memref_squeeze %dma_wait3A_292 : memref<1x80x128xf32, #tpu.memory_space<vmem>> -> memref<80x128xf32, #tpu.memory_space<vmem>>
        tpu.wait_dma2 semaphore(%dma_wait3A_287 : memref<!tpu.dma_semaphore, #tpu.memory_space<semaphore_mem>>) src(%dma_wait3A_293 : memref<80x128xf32, #tpu.memory_space<vmem>>) dst(%dma_wait3A_289 : memref<80x128xf32, #tpu.memory_space<hbm>>)
        "tpu.trace_stop"() : () -> ()
      } else {
      }
      %and3A_196 = arith.constant true
      %and3A_197 = arith.andi %and3A_192, %and3A_196 : i1
      %add3A_198 = arith.constant 1 : i32
      %add3A_199 = arith.addi %scan3A_64, %add3A_198 : i32
      %select_n3A_200 = arith.select %and3A_197, %add3A_199, %scan3A_64 : i32
      %ne3A_201 = arith.cmpi ne, %add3A_72, %add3A_92 : i32
      %or3A_202 = arith.constant false
      %or3A_203 = arith.ori %or3A_202, %ne3A_201 : i1
      %or3A_204 = arith.constant false
      %or3A_205 = arith.ori %or3A_203, %or3A_204 : i1
      %or3A_206 = arith.ori %or3A_205, %eq3A_70 : i1
      %add3A_207 = arith.constant 1 : i32
      %add3A_208 = arith.addi %scan3A, %add3A_207 : i32
      %select_n3A_209 = arith.select %or3A_206, %add3A_208, %scan3A : i32
      %select_n3A_210 = arith.constant true
      %select_n3A_211 = arith.constant 0 : i32
      %select_n3A_212 = arith.constant 1 : i32
      %select_n3A_213 = arith.select %select_n3A_210, %select_n3A_212, %select_n3A_211 : i32
      %eq3A_214 = arith.constant 1 : i32
      %eq3A_215 = arith.cmpi eq, %select_n3A_213, %eq3A_214 : i32
      %select_n3A_216 = arith.constant 0 : i32
      %select_n3A_217 = arith.select %eq3A_215, %select_n3A_216, %select_n3A_213 : i32
      %scan3A_218 = arith.constant 0 : i32
      %scan3A_219 = arith.constant 1 : i32
      %sub3A = arith.constant 1 : i32
      %sub3A_220 = arith.subi %scan3A_218, %sub3A : i32
      %select_n3A_221 = arith.constant true
      %select_n3A_222 = arith.select %select_n3A_221, %sub3A_220, %scan3A_218 : i32
      %eq3A_223 = arith.constant -1 : i32
      %eq3A_224 = arith.cmpi eq, %select_n3A_222, %eq3A_223 : i32
      %select_n3A_225 = arith.constant 0 : i32
      %select_n3A_226 = arith.select %eq3A_224, %select_n3A_225, %select_n3A_222 : i32
      %add3A_227 = arith.constant 0 : i32
      %add3A_228 = arith.addi %add3A_227, %mul3A_6 : i32
      %select_n3A_229 = arith.constant true
      %select_n3A_230 = arith.constant 0 : i32
      %select_n3A_231 = arith.constant -1 : i32
      %select_n3A_232 = arith.select %select_n3A_229, %select_n3A_231, %select_n3A_230 : i32
      %eq3A_233 = arith.constant -1 : i32
      %eq3A_234 = arith.cmpi eq, %select_n3A_232, %eq3A_233 : i32
      %select_n3A_235 = arith.constant 0 : i32
      %select_n3A_236 = arith.select %eq3A_234, %select_n3A_235, %select_n3A_232 : i32
      %add3A_237 = arith.constant 0 : i32
      %add3A_238 = arith.addi %add3A_237, %mul3A_6 : i32
      %select_n3A_239 = arith.constant true
      %select_n3A_240 = arith.constant 0 : i32
      %select_n3A_241 = arith.constant 1 : i32
      %select_n3A_242 = arith.select %select_n3A_239, %select_n3A_241, %select_n3A_240 : i32
      %eq3A_243 = arith.constant 1 : i32
      %eq3A_244 = arith.cmpi eq, %select_n3A_242, %eq3A_243 : i32
      %select_n3A_245 = arith.constant 0 : i32
      %select_n3A_246 = arith.select %eq3A_244, %select_n3A_245, %select_n3A_242 : i32
      %add3A_247 = arith.constant 0 : i32
      %add3A_248 = arith.addi %add3A_247, %mul3A_6 : i32
      %select_n3A_249 = arith.constant true
      %select_n3A_250 = arith.constant 0 : i32
      %select_n3A_251 = arith.constant 1 : i32
      %select_n3A_252 = arith.select %select_n3A_249, %select_n3A_251, %select_n3A_250 : i32
      %eq3A_253 = arith.constant 1 : i32
      %eq3A_254 = arith.cmpi eq, %select_n3A_252, %eq3A_253 : i32
      %select_n3A_255 = arith.constant 0 : i32
      %select_n3A_256 = arith.select %eq3A_254, %select_n3A_255, %select_n3A_252 : i32
      %add3A_257 = arith.constant 0 : i32
      %add3A_258 = arith.addi %add3A_257, %mul3A_6 : i32
      "tpu.trace_start"() <{level = 10 : i32, message = "ep_finalize"}> : () -> ()
      %rem3A_259 = arith.constant 2 : i32
      %rem3A_260 = arith.remui %select_n3A_200, %rem3A_259 : i32
      %mul3A_261 = arith.constant 80 : i32
      %mul3A_262 = arith.muli %mul3A_261, %add3A_228 : i32
      %dma_wait3A = arith.constant 0 : i32
      %dma_wait3A_263 = arith.constant 0 : i32
      %dma_wait3A_264 = tpu.memref_slice %run_scoped3A_8[%rem3A_260, %dma_wait3A, %dma_wait3A_263] : memref<2x80x128xf32, #tpu.memory_space<vmem>> -> memref<1x80x128xf32, #tpu.memory_space<vmem>>
      %dma_wait3A_265 = tpu.memref_squeeze %dma_wait3A_264 : memref<1x80x128xf32, #tpu.memory_space<vmem>> -> memref<80x128xf32, #tpu.memory_space<vmem>>
      %dma_wait3A_266 = arith.constant 0 : i32
      %dma_wait3A_267 = tpu.memref_slice %arg4[%mul3A_262, %dma_wait3A_266] : memref<2560x128xf32, #tpu.memory_space<hbm>> -> memref<80x128xf32, #tpu.memory_space<hbm>>
      %dma_wait3A_268 = tpu.memref_slice %run_scoped3A_9[%rem3A_260] : memref<2x!tpu.dma_semaphore, #tpu.memory_space<semaphore_mem>> -> memref<1x!tpu.dma_semaphore, #tpu.memory_space<semaphore_mem>>
      %dma_wait3A_269 = tpu.memref_squeeze %dma_wait3A_268 : memref<1x!tpu.dma_semaphore, #tpu.memory_space<semaphore_mem>> -> memref<!tpu.dma_semaphore, #tpu.memory_space<semaphore_mem>>
      %dma_wait3A_270 = arith.constant 0 : i32
      %dma_wait3A_271 = tpu.memref_slice %arg4[%mul3A_262, %dma_wait3A_270] : memref<2560x128xf32, #tpu.memory_space<hbm>> -> memref<80x128xf32, #tpu.memory_space<hbm>>
      %dma_wait3A_272 = arith.constant 0 : i32
      %dma_wait3A_273 = arith.constant 0 : i32
      %dma_wait3A_274 = tpu.memref_slice %run_scoped3A_8[%rem3A_260, %dma_wait3A_272, %dma_wait3A_273] : memref<2x80x128xf32, #tpu.memory_space<vmem>> -> memref<1x80x128xf32, #tpu.memory_space<vmem>>
      %dma_wait3A_275 = tpu.memref_squeeze %dma_wait3A_274 : memref<1x80x128xf32, #tpu.memory_space<vmem>> -> memref<80x128xf32, #tpu.memory_space<vmem>>
      tpu.wait_dma2 semaphore(%dma_wait3A_269 : memref<!tpu.dma_semaphore, #tpu.memory_space<semaphore_mem>>) src(%dma_wait3A_275 : memref<80x128xf32, #tpu.memory_space<vmem>>) dst(%dma_wait3A_271 : memref<80x128xf32, #tpu.memory_space<hbm>>)
      "tpu.trace_stop"() : () -> ()
      tpu.yield
    }) : () -> ()
    return
  }
}

module attributes {stable_mosaic.version = 14 : i64} {
  func.func @_top2_body(%arg0: i32, %arg1: i32, %arg2: memref<1x256x3xf32, #tpu.memory_space<vmem>>, %arg3: memref<1x3x10000xf32, #tpu.memory_space<vmem>>, %arg4: memref<1x256x1xi32, #tpu.memory_space<vmem>>) attributes {dimension_semantics = [#tpu.dimension_semantics<arbitrary>, #tpu.dimension_semantics<arbitrary>], iteration_bounds = array<i64: 2, 10>, scalar_prefetch = 0 : i64, scratch_operands = 0 : i64, tpu.core_type = #tpu.core_type<tc>, window_params = [{transform_indices = @transform_0, window_bounds = array<i64: 1, 256, 3>}, {transform_indices = @transform_1, window_bounds = array<i64: 1, 3, 10000>}, {transform_indices = @transform_2, window_bounds = array<i64: 1, 256, 1>}]} {
    %get3A = arith.constant 0 : index
    %get3A_0 = arith.constant 0 : index
    %get3A_1 = arith.constant 0 : index
    %get3A_2 = vector.load %arg2[%get3A, %get3A_0, %get3A_1] : memref<1x256x3xf32, #tpu.memory_space<vmem>>, vector<1x256x3xf32>
    %get3A_3 = vector.shape_cast %get3A_2 : vector<1x256x3xf32> to vector<256x3xf32>
    %get3A_4 = arith.constant 0 : index
    %get3A_5 = arith.constant 0 : index
    %get3A_6 = arith.constant 0 : index
    %get3A_7 = vector.load %arg3[%get3A_4, %get3A_5, %get3A_6] : memref<1x3x10000xf32, #tpu.memory_space<vmem>>, vector<1x3x10000xf32>
    %get3A_8 = vector.shape_cast %get3A_7 : vector<1x3x10000xf32> to vector<3x10000xf32>
    %slice3A = vector.extract_strided_slice %get3A_3 {offsets = [0, 0], sizes = [256, 1], strides = [1, 1]} : vector<256x3xf32> to vector<256x1xf32>
    %slice3A_9 = vector.extract_strided_slice %get3A_3 {offsets = [0, 1], sizes = [256, 1], strides = [1, 1]} : vector<256x3xf32> to vector<256x1xf32>
    %slice3A_10 = vector.extract_strided_slice %get3A_3 {offsets = [0, 2], sizes = [256, 1], strides = [1, 1]} : vector<256x3xf32> to vector<256x1xf32>
    %slice3A_11 = vector.extract_strided_slice %get3A_8 {offsets = [0, 0], sizes = [1, 10000], strides = [1, 1]} : vector<3x10000xf32> to vector<1x10000xf32>
    %slice3A_12 = vector.extract_strided_slice %get3A_8 {offsets = [1, 0], sizes = [1, 10000], strides = [1, 1]} : vector<3x10000xf32> to vector<1x10000xf32>
    %slice3A_13 = vector.extract_strided_slice %get3A_8 {offsets = [2, 0], sizes = [1, 10000], strides = [1, 1]} : vector<3x10000xf32> to vector<1x10000xf32>
    %mul3A = arith.mulf %slice3A, %slice3A : vector<256x1xf32>
    %mul3A_14 = arith.mulf %slice3A_10, %slice3A_10 : vector<256x1xf32>
    %add3A = arith.addf %mul3A, %mul3A_14 : vector<256x1xf32>
    %mul3A_15 = arith.mulf %slice3A_9, %slice3A_9 : vector<256x1xf32>
    %add3A_16 = arith.addf %add3A, %mul3A_15 : vector<256x1xf32>
    %mul3A_17 = arith.mulf %slice3A_11, %slice3A_11 : vector<1x10000xf32>
    %mul3A_18 = arith.mulf %slice3A_13, %slice3A_13 : vector<1x10000xf32>
    %add3A_19 = arith.addf %mul3A_17, %mul3A_18 : vector<1x10000xf32>
    %mul3A_20 = arith.mulf %slice3A_12, %slice3A_12 : vector<1x10000xf32>
    %add3A_21 = arith.addf %add3A_19, %mul3A_20 : vector<1x10000xf32>
    %add3A_22 = arith.addf %get3A_3, %get3A_3 : vector<256x3xf32>
    %dot_general3A = arith.constant dense<0.000000e+00> : vector<256x10000xf32>
    %dot_general3A_23 = tpu.matmul %add3A_22, %get3A_8, %dot_general3A {dimension_numbers = #tpu.dot_dimension_numbers<[1], [0], [0], [1], [0, 0, 1, 1], [], []>, transpose_lhs_hint = false} : vector<256x3xf32>, vector<3x10000xf32>, vector<256x10000xf32> -> vector<256x10000xf32>
    %add3A_24 = vector.broadcast %add3A_16 : vector<256x1xf32> to vector<256x10000xf32>
    %add3A_25 = vector.broadcast %add3A_21 : vector<1x10000xf32> to vector<256x10000xf32>
    %add3A_26 = arith.addf %add3A_24, %add3A_25 : vector<256x10000xf32>
    %sub3A = arith.subf %add3A_26, %dot_general3A_23 : vector<256x10000xf32>
    %iota3A = tpu.iota {dimensions = array<i32: 1>} : vector<256x10000xi32>
    %convert_element_type3A = arith.sitofp %iota3A : vector<256x10000xi32> to vector<256x10000xf32>
    %reduce_min3A = arith.constant dense<0x7F800000> : vector<256xf32>
    %reduce_min3A_27 = vector.multi_reduction <minimumf>, %sub3A, %reduce_min3A [1] : vector<256x10000xf32> to vector<256xf32>
    %broadcast_in_dim3A = vector.shape_cast %reduce_min3A_27 : vector<256xf32> to vector<256x1xf32>
    %eq3A = vector.broadcast %broadcast_in_dim3A : vector<256x1xf32> to vector<256x10000xf32>
    %eq3A_28 = arith.cmpf oeq, %sub3A, %eq3A : vector<256x10000xf32>
    %jit3A = arith.constant 1.000000e+04 : f32
    %broadcast_in_dim3A_29 = vector.broadcast %jit3A : f32 to vector<256x10000xf32>
    %select_n3A = arith.select %eq3A_28, %convert_element_type3A, %broadcast_in_dim3A_29 : vector<256x10000xi1>, vector<256x10000xf32>
    %reduce_min3A_30 = arith.constant dense<0x7F800000> : vector<256xf32>
    %reduce_min3A_31 = vector.multi_reduction <minimumf>, %select_n3A, %reduce_min3A_30 [1] : vector<256x10000xf32> to vector<256xf32>
    %broadcast_in_dim3A_32 = vector.shape_cast %reduce_min3A_31 : vector<256xf32> to vector<256x1xf32>
    %eq3A_33 = vector.broadcast %broadcast_in_dim3A_32 : vector<256x1xf32> to vector<256x10000xf32>
    %eq3A_34 = arith.cmpf oeq, %convert_element_type3A, %eq3A_33 : vector<256x10000xf32>
    %jit3A_35 = arith.constant 0x7F800000 : f32
    %broadcast_in_dim3A_36 = vector.broadcast %jit3A_35 : f32 to vector<256x10000xf32>
    %select_n3A_37 = arith.select %eq3A_34, %broadcast_in_dim3A_36, %sub3A : vector<256x10000xi1>, vector<256x10000xf32>
    %reduce_min3A_38 = arith.constant dense<0x7F800000> : vector<256xf32>
    %reduce_min3A_39 = vector.multi_reduction <minimumf>, %select_n3A_37, %reduce_min3A_38 [1] : vector<256x10000xf32> to vector<256xf32>
    %broadcast_in_dim3A_40 = vector.shape_cast %reduce_min3A_39 : vector<256xf32> to vector<256x1xf32>
    %eq3A_41 = vector.broadcast %broadcast_in_dim3A_40 : vector<256x1xf32> to vector<256x10000xf32>
    %eq3A_42 = arith.cmpf oeq, %select_n3A_37, %eq3A_41 : vector<256x10000xf32>
    %jit3A_43 = arith.constant 1.000000e+04 : f32
    %broadcast_in_dim3A_44 = vector.broadcast %jit3A_43 : f32 to vector<256x10000xf32>
    %select_n3A_45 = arith.select %eq3A_42, %convert_element_type3A, %broadcast_in_dim3A_44 : vector<256x10000xi1>, vector<256x10000xf32>
    %reduce_min3A_46 = arith.constant dense<0x7F800000> : vector<256xf32>
    %reduce_min3A_47 = vector.multi_reduction <minimumf>, %select_n3A_45, %reduce_min3A_46 [1] : vector<256x10000xf32> to vector<256xf32>
    %broadcast_in_dim3A_48 = vector.shape_cast %reduce_min3A_47 : vector<256xf32> to vector<256x1xf32>
    %convert_element_type3A_49 = arith.fptosi %broadcast_in_dim3A_48 : vector<256x1xf32> to vector<256x1xi32>
    %swap3A = arith.constant 0 : index
    %swap3A_50 = arith.constant 0 : index
    %swap3A_51 = arith.constant 0 : index
    %swap3A_52 = vector.load %arg4[%swap3A, %swap3A_50, %swap3A_51] : memref<1x256x1xi32, #tpu.memory_space<vmem>>, vector<1x256x1xi32>
    %swap3A_53 = vector.shape_cast %swap3A_52 : vector<1x256x1xi32> to vector<256x1xi32>
    %swap3A_54 = vector.shape_cast %convert_element_type3A_49 : vector<256x1xi32> to vector<1x256x1xi32>
    tpu.vector_store %arg4[%swap3A, %swap3A_50, %swap3A_51], %swap3A_54 {strides = array<i32>} : memref<1x256x1xi32, #tpu.memory_space<vmem>>, vector<1x256x1xi32>,
    return
  }
  func.func @transform_0(%arg0: i32, %arg1: i32) -> (i32, i32, i32) {
    %c0_i32 = arith.constant 0 : i32
    %c0_i32_0 = arith.constant 0 : i32
    return %arg0, %arg1, %c0_i32 : i32, i32, i32
  }
  func.func @transform_1(%arg0: i32, %arg1: i32) -> (i32, i32, i32) {
    %c0_i32 = arith.constant 0 : i32
    %c0_i32_0 = arith.constant 0 : i32
    %c0_i32_1 = arith.constant 0 : i32
    return %arg0, %c0_i32, %c0_i32_0 : i32, i32, i32
  }
  func.func @transform_2(%arg0: i32, %arg1: i32) -> (i32, i32, i32) {
    %c0_i32 = arith.constant 0 : i32
    %c0_i32_0 = arith.constant 0 : i32
    return %arg0, %arg1, %c0_i32 : i32, i32, i32
  }
}

</mosaic_0001>

<sc_bundles>
// kernel: kernel.5.cloned.1.call-start
scs
__scs_entry_jumppad:
0x0: {  	(pc) =	sbr.rel $0x88, $3  }
0x1: {  	(tag) =	ssettag $0x0;
	lr =	simm.s32 $0x1  }
0x2: {  	[smem:$0x3F9B] =	sst lr;
	_ =	strace $0xD0000000  }
0x3: {  	_ = 	snop  }
0x4: {  	_ = 	snop  }
0x5: {  	_ = 	snop  }
0x6: {  	_ = 	snop  }
0x7: {  	_ = 	snop  }
__scs_overlays_trampoline_lowered:
0x8: {  	[smem:$0x3FAA] =	sst s0  }
0x9: {  	[smem:$0x3FAB] =	sst s1  }
0xa: {  	[smem:$0x3FAC] =	sst s2  }
0xb: {  	[smem:$0x3FAD] =	sst s3  }
0xc: {  	[smem:$0x3FAE] =	sst s4  }
0xd: {  	[smem:$0x3FAF] =	sst s5  }
0xe: {  	[smem:$0x3FB0] =	sst s6  }
0xf: {  	[smem:$0x3FB1] =	sst s7  }
0x10: {  	[smem:$0x3FB2] =	sst s8  }
0x11: {  	[smem:$0x3FB3] =	sst s9;
	s0 =	simm.s32 @!p0 $0x0  }
0x12: {  	s1 =	sld [smem:$0x3F99];
	s0 =	simm.s32 @p0 $0x1  }
0x13: {  	[smem:$0x3FB4] =	sst s0;
	s0 =	simm.s32 @!p1 $0x0  }
0x14: {  	s2 =	sld [smem:$0x3F98];
	s0 =	simm.s32 @p1 $0x1  }
0x15: {  	[smem:$0x3FB5] =	sst s0;
	s0 =	simm.s32 @!p2 $0x0  }
0x16: {  	s3 =	sld [smem:$0x3FDB];
	s0 =	simm.s32 @p2 $0x1  }
0x17: {  	s4 =	simm.s32 $0x1BF5;
	[smem:$0x3FB7] =	sst s0  }
0x18: {  	s0 =	sld [smem:$0x3F9A];
	_ =	swait.ge [sflag:s4], $0x0  }
0x19: {  	s7 =	sld [smem:$0x3F9B]  }
0x1a: {  	s8 =	sadd.s32 $0xFFFFE003, lr  }
0x1b: {  	s9 =	sadd.s32 $0xFFFFFEF7, lr;
	s5 =	simm.s32 $0xFFFFFFFF;
	p2 =	slt.u32 s8, $0xFFFFF086  }
0x1c: {  	p1 =	slt.u32 s9, $0xF7A;
	s5 =	simm.s32 @!p2 $0x0  }
0x1d: {  	s5 =	simm.s32 @p1 $0x1;
	p0 =	seq.s32 s7, s2  }
0x1e: {  	s7 =	smul.u32 @!p0 $0xF7A, s2;
	p2 =	seq.s32 @!p0 s5, $0x0  }
0x1f: {  	s9 =	smul.u32 $0xF7A, s1;
	s8 =	simm.s32 @!p0 $0x1BF5;
	p2 =	por !p2, p0  }
0x20: {  	[sflag:s8] =	ssyncset.s32 @!p0 $0xFFFFF086;
	s6 =	sadd.s32 @!p0 s3, s7;
	s7 =	simm.s32 @!p0 $0x108  }
0x21: {  	s3 =	sadd.s32 s3, s9;
	s6 =	sadd.s32 @!p0 $0x88, s6;
	s7 =	simm.s32 @p2 $0x1082  }
0x22: {  	[simem:s7], [sflag:s8] =	dma.local @!p0 [hbm:s6], $0xF7A  }
0x23: {  	s9 =	sor.u32 $0xD0000000, s2;
	s6 =	simm.s32 $0x108;
	_ =	swait.ge @!p0 [sflag:s8], $0x0  }
0x24: {  	s3 =	sadd.s32 $0x88, s3;
	s6 =	simm.s32 @!p1 $0x1082;
	[sflag:s4] =	ssyncset.s32 $0xFFFFF086  }
0x25: {  	[simem:s6], [sflag:s4] =	dma.local [hbm:s3], $0xF7A  }
0x26: {  	[smem:$0x3F9B] =	sst s1;
	(tag) =	ssettag s2;
	_ =	strace s9  }
0x27: {  	s1 =	sld [smem:$0x3FAB]  }
0x28: {  	s2 =	sld [smem:$0x3FAC]  }
0x29: {  	s4 =	sld [smem:$0x3FAE]  }
0x2a: {  	p0 =	seq.s32 s5, $0x0;
	s5 =	sld [smem:$0x3FAF]  }
0x2b: {  	s6 =	sld [smem:$0x3FB0]  }
0x2c: {  	s7 =	sld [smem:$0x3FB1]  }
0x2d: {  	s3 =	simm.s32 $0x108;
	s8 =	sld [smem:$0x3FB2]  }
0x2e: {  	s3 =	simm.s32 @!p0 $0x1082;
	s9 =	sld [smem:$0x3FB3]  }
0x2f: {  	lr =	sadd.s32 s0, s3;
	s0 =	sld [smem:$0x3FAA]  }
0x30: {  	s3 =	sld [smem:$0x3FAD]  }
0x31: {  	[smem:$0x3FB6] =	sst s10  }
0x32: {  	s10 =	sld [smem:$0x3FB4];
	_ =	sdelay $0x3  }
0x33: {  	p0 =	seq.s32 s10, $0x1;
	s10 =	sld [smem:$0x3FB6];
	_ =	sdelay $0x3  }
0x34: {  	[smem:$0x3FB6] =	sst s10  }
0x35: {  	s10 =	sld [smem:$0x3FB5];
	_ =	sdelay $0x3  }
0x36: {  	p1 =	seq.s32 s10, $0x1;
	s10 =	sld [smem:$0x3FB6];
	_ =	sdelay $0x3  }
0x37: {  	[smem:$0x3FB6] =	sst s10  }
0x38: {  	s10 =	sld [smem:$0x3FB7]  }
0x39: {  	_ = 	snop;
	(pc) =	sbr.ind lr, $3  }
0x3a: {  	_ = 	snop  }
0x3b: {  	_ = 	snop  }
0x3c: {  	p2 =	seq.s32 s10, $0x1;
	s10 =	sld [smem:$0x3FB6]  }
0x3d: {  	_ =	shalt  }
0x3e: {  	_ =	shalt  }
0x3f: {  	_ =	shalt  }
0x40: {  	_ =	shalt  }
0x41: {  	_ =	shalt  }
0x42: {  	_ =	shalt  }
0x43: {  	_ =	shalt  }
0x44: {  	_ =	shalt  }
0x45: {  	_ =	shalt  }
0x46: {  	_ =	shalt  }
0x47: {  	_ =	shalt  }
0x48: {  	_ =	shalt  }
0x49: {  	_ =	shalt  }
0x4a: {  	_ =	shalt  }
0x4b: {  	_ =	shalt  }
0x4c: {  	_ =	shalt  }
0x4d: {  	_ =	shalt  }
0x4e: {  	_ =	shalt  }
0x4f: {  	_ =	shalt  }
0x50: {  	_ =	shalt  }
0x51: {  	_ =	shalt  }
0x52: {  	_ =	shalt  }
0x53: {  	_ =	shalt  }
0x54: {  	_ =	shalt  }
0x55: {  	_ =	shalt  }
0x56: {  	_ =	shalt  }
0x57: {  	_ =	shalt  }
0x58: {  	_ =	shalt  }
0x59: {  	_ =	shalt  }
0x5a: {  	_ =	shalt  }
0x5b: {  	_ =	shalt  }
0x5c: {  	_ =	shalt  }
0x5d: {  	_ =	shalt  }
0x5e: {  	_ =	shalt  }
0x5f: {  	_ =	shalt  }
0x60: {  	_ =	shalt  }
0x61: {  	_ =	shalt  }
0x62: {  	_ =	shalt  }
0x63: {  	_ =	shalt  }
0x64: {  	_ =	shalt  }
0x65: {  	_ =	shalt  }
0x66: {  	_ =	shalt  }
0x67: {  	_ =	shalt  }
0x68: {  	_ =	shalt  }
0x69: {  	_ =	shalt  }
0x6a: {  	_ =	shalt  }
0x6b: {  	_ =	shalt  }
0x6c: {  	_ =	shalt  }
0x6d: {  	_ =	shalt  }
0x6e: {  	_ =	shalt  }
0x6f: {  	_ =	shalt  }
0x70: {  	_ =	shalt  }
0x71: {  	_ =	shalt  }
0x72: {  	_ =	shalt  }
0x73: {  	_ =	shalt  }
0x74: {  	_ =	shalt  }
0x75: {  	_ =	shalt  }
0x76: {  	_ =	shalt  }
0x77: {  	_ =	shalt  }
0x78: {  	_ =	shalt  }
0x79: {  	_ =	shalt  }
0x7a: {  	_ =	shalt  }
0x7b: {  	_ =	shalt  }
0x7c: {  	_ =	shalt  }
0x7d: {  	_ =	shalt  }
0x7e: {  	_ =	shalt  }
0x7f: {  	_ =	shalt  }
0x80: {  	_ =	shalt  }
0x81: {  	_ =	shalt  }
0x82: {  	_ =	shalt  }
0x83: {  	_ =	shalt  }
0x84: {  	_ =	shalt  }
0x85: {  	_ =	shalt  }
0x86: {  	_ =	shalt  }
0x87: {  	_ =	shalt  }
.Lfunc_end0:
.L_simem_size_0:
called_computation_lowered:
.L_overlay_start_0:
0x88: {  	s2 =	sld [smem:$0x3FD9]  }
0x89: {  	s3 =	sld [smem:$0x3FFE];
	_ =	sdelay $0x1  }
0x8a: {  	s1 =	srdreg.scid  }
0x8b: {  	s0 =	sand.u32 $0x1, s1  }
0x8c: {  	s14 =	sshll.u32 s0, $0xA;
	s2 =	sadd.s32 s3, s2  }
0x8d: {  	s2 =	sadd.s32 s2, s14  }
0x8e: {  	[smem:$0x3FC2] =	sst s2  }
0x8f: {  	_ = 	snop  }
0x90: {  	s2 =	sld [smem:$0x3FD0];
	_ =	sdelay $0x2  }
0x91: {  	s4 =	simm.s32 $0xB;
	s5 =	simm.s32 $0x10;
	s15 =	sld [smem:$0x3FC9]  }
0x92: {  	[smem:s5], [sflag:s4] =	dma.local [hbm:s2], $0x1  }
0x93: {  	_ =	swait.eq [sflag:s4], $0x1  }
0x94: {  	[sflag:s4] =	ssyncset.done $0x0  }
0x95: {  	[sflag:s4] =	ssyncadd.s32 $0xFFFFFFFF  }
0x96: {  	s16 =	sld [smem:$0x11];
	(tm) =	ssettm $0x1  }
0x97: {  	s17 =	sld [smem:$0x3FFB];
	_ =	sdelay $0x3  }
0x98: {  	_ =	strace s17  }
0x99: {  	s4 =	sld [smem:$0x3FFC];
	_ =	sdelay $0x3  }
0x9a: {  	_ =	strace s4  }
0x9b: {  	s4 =	sld [smem:$0x3FFD];
	_ =	sdelay $0x3  }
0x9c: {  	_ =	strace s4  }
0x9d: {  	_ =	strace $0x8FFFFFFF  }
0x9e: {  	s18 =	sld [smem:$0x3FDB];
	_ =	sdelay $0x1  }
0x9f: {  	s19 =	simm.s32 $_scs_section_size  }
0xa0: {  	s6 =	simm.s32 $_size__tile_overlayer_lowered;
	s7 =	simm.s32 $_tile_overlayer_lowered  }
0xa1: {  	s22 =	simm.s32 $0x1BFF;
	s21 =	sshll.u32 s7, $0x1;
	s4 =	sadd.s32 s19, s18  }
0xa2: {  	s8 =	simm.s32 $0x0;
	s20 =	sshll.u32 s6, $0x1;
	s6 =	sadd.s32 s21, s4  }
0xa3: {  	[timem:s8], [sflag:s22] =	dma.local [hbm:s6], s20  }
0xa4: {  	_ =	swait.ge [sflag:s22], s20  }
0xa5: {  	s5 =	ssub.s32 $0x0, s20;
	[sflag:s22] =	ssyncset.done $0x0  }
0xa6: {  	[sflag:s22] =	ssyncadd.s32 s5;
	_ =	sdelay $0x1  }
0xa7: {  	s23 =	simm.s32 $0x1B8B  }
0xa8: {  	_ =	swait.ge [sflag:s23], $0x1  }
0xa9: {  	[sflag:s23] =	ssyncset.done $0x0  }
0xaa: {  	s25 =	simm.s32 $0x1B8E;
	s24 =	sld [smem:$0x3FFE];
	[sflag:s23] =	ssyncadd.s32 $0xFFFFFFFF  }
0xab: {  	s26 =	simm.s32 $execute0_lowered;
	[smem:$0x3FD2] =	sst s25  }
0xac: {  	s6 =	sshll.u32 s26, $0x1;
	_ =	strace $0x80000046;
	[dreg:$0x1] =	wrdreg $0xFFFFFFFF  }
0xad: {  	s28 =	simm.s32 $_size_execute0_lowered;
	s4 =	sadd.s32 s4, s6;
	[dreg:$0x0] =	wrdreg $0x0  }
0xae: {  	s6 =	sshll.u32 s28, $0x1;
	[dreg:$0x2] =	wrdreg s4  }
0xaf: {  	[dreg:$0x3] =	wrdreg s6  }
0xb0: {  	[dreg:$0x4] =	wrdreg $0xC0  }
0xb1: {  	_ =	task [dreg:s8], $0x5FFFF  }
0xb2: {  	[dreg:$0x1] =	wrdreg $0xFFFFFFFF  }
0xb3: {  	[dreg:$0x0] =	wrdreg $0x60  }
0xb4: {  	[dreg:$0x2] =	wrdreg s15  }
0xb5: {  	[dreg:$0x3] =	wrdreg s16  }
0xb6: {  	[dreg:$0x4] =	wrdreg s24  }
0xb7: {  	[dreg:$0x5] =	wrdreg $0x9  }
0xb8: {  	_ =	task.clear_ibuf [dreg:s8], $0x6FFFF;
	_ =	strace $0x90000046  }
0xb9: {  	s29 =	simm.s32 $0x9;
	_ =	strace $0x8000004D  }
0xba: {  	_ =	swait.ge [sflag:s29], $0x1  }
0xbb: {  	[sflag:s29] =	ssyncadd.s32 $0xFFFFFFFF  }
0xbc: {  	_ =	strace $0x9000004D  }
0xbd: {  	_ =	sfence  }
0xbe: {  	s30 =	sld [smem:$0x0];
	_ =	sdelay $0x2  }
0xbf: {  	s31 =	sshll.u32 s1, $0xD;
	s1 =	sshrl.u32 s1, $0x2  }
0xc0: {  	s3 =	sand.u32 $0x4000, s31;
	s1 =	sadd.s32 s1, s30  }
0xc1: {  	s0 =	sor.u32 s3, s0;
	s1 =	sshll.u32 s1, $0x11  }
0xc2: {  	s0 =	sor.u32 s1, s0  }
0xc3: {  	s0 =	sadd.s32 $0x8F2B, s0  }
0xc4: {  	[sflag:s0] =	ssyncadd.remote.s32 $0x1  }
0xc5: {  	_ =	sfence.sel $0xFFFF  }
0xc6: {  	[dreg:$0x0] =	wrdreg $0xFFFFFFFF;
	(pc) =	sbr.abs _section_cstart, $3  }
0xc7: {  	[dreg:$0x1] =	wrdreg $0xFFFFFFFF  }
0xc8: {  	_ =	task.clear_ibuf [dreg:s8], $0x2FFFF;
	_ =	strace $0x9FFFFFFF  }
0xc9: {  	(tm) =	ssettm $0x7FFFFFFF  }
tec
execute0_lowered:
.L_overlay_start_1:
0x0: {  	(tag) =	ssettag $0x1  }
0x1: {  	s1 =	rddreg [dreg:$0x0]  }
0x2: {  	s4 =	rddreg [dreg:$0x1];
	s0 =	srdreg.scid  }
0x3: {  	s9 =	rddreg [dreg:$0x2];
	s10 =	sand.u32 $0x1, s0  }
0x4: {  	s2 =	stileid.u32;
	s3 =	simm.s32 $0x0;
	s5 =	sshll.u32 s10, $0x4  }
0x5: {  	s0 =	rddreg [dreg:$0x3];
	s30 =	sshll.u32 s2, $0x4;
	s11 =	sor.u32 s2, s5  }
0x6: {  	[smem:$0x7FF] =	sst s3;
	s5 =	sand.u32 $0x70, s30;
	s6 =	sshll.u32 s11, $0x4  }
0x7: {  	_ =	strace $0x80000047;
	s4 =	sadd.s32 s4, s5;
	s6 =	sand.u32 $0x180, s6  }
0x8: {  	_ =	strace $0x80000048;
	s4 =	sadd.s32 s6, s4  }
0x9: {  	[tilespmem:s3], [sflag:$0x1] =	stream.linear.gather [hbm4b:s4+s3], $0x80, $0x200038;
	[tilespmem:$0x5100] =	vst v63  }
0xa: {  	_ =	strace $0x90000048  }
0xb: {  	s5 =	simm.s32 $0x1;
	_ =	strace $0x80000049  }
0xc: {  	_ =	swait.ge [sflag:s5], $0x80  }
0xd: {  	[sflag:s5] =	ssyncset.done $0x0  }
0xe: {  	[sflag:s5] =	ssyncadd.s32 $0xFFFFFF80  }
0xf: {  	s7 =	simm.s32 $0x100;
	_ =	strace $0x90000049  }
0x10: {  	s8 =	simm.s32 $0x5;
	s6 =	simm.s32 $0x50;
	_ =	strace $0x8000004A  }
0x11: {  	[tilespmem:s7], [sflag:$0x5] =	stream.indirect.gather [hbm4b:s1+s6], $0x80, s3, s6, $0x2000b8;
	[tilespmem:$0x5100] =	vst v63  }
0x12: {  	s10 =	ssub.s32 $0x2, s10;
	s11 =	smul.u32 $0x500, s11;
	_ =	swait.ge [sflag:s8], $0x2800  }
0x13: {  	s31 =	sshrl.u32 s10, $0x1;
	[sflag:s8] =	ssyncset.done $0x0  }
0x14: {  	s9 =	sadd.s32 s11, s9;
	s11 =	ssub.s32 s10, s31;
	[sflag:s8] =	ssyncadd.s32 $0xFFFFD800  }
0x15: {  	s11 =	smax.u32 s11, $0x1;
	_ =	strace $0x9000004A  }
0x16: {  	s9 =	sadd.s32 $0x400, s9;
	p0 =	sne.s32 s11, $0x1;
	_ =	strace $0x8000004B  }
0x17: {  	[hbm4b:s9+s3] =	stream.linear.scatter [tilespmem:s7], [sflag:$0x3], $0x2800, $0x200038;
	[tilespmem:$0x5100] =	vst v63  }
.Ltmp0:
0x18: {  	_ =	strace $0x9000004B;
	(pc) =	sbr.rel @!p0 .LBB2_2-.Ltmp0, $4  }
0x19: {  	s10 =	simm.s32 $0x3;
	_ =	strace $0x8000004C  }
0x1a: {  	_ =	swait.ge [sflag:s10], $0x2800  }
0x1b: {  	[sflag:s10] =	ssyncset.done $0x0  }
0x1c: {  	s11 =	sadd.s32 $0xFFFFFFFF, s11;
	[sflag:s10] =	ssyncadd.s32 $0xFFFFD800  }
.LBB2_1:
0x1d: {  	p0 =	sne.s32 s11, $0x1;
	s11 =	sadd.s32 $0xFFFFFFFF, s11;
	_ =	strace $0x9000004C  }
0x1e: {  	_ =	strace $0x80000048  }
0x1f: {  	[tilespmem:s3], [sflag:$0x1] =	stream.linear.gather [hbm4b:s4+s3], $0x80, $0x200038;
	[tilespmem:$0x5100] =	vst v63  }
0x20: {  	_ =	strace $0x90000048  }
0x21: {  	_ =	strace $0x80000049  }
0x22: {  	_ =	swait.ge [sflag:s5], $0x80  }
0x23: {  	[sflag:s5] =	ssyncset.done $0x0  }
0x24: {  	[sflag:s5] =	ssyncadd.s32 $0xFFFFFF80  }
0x25: {  	_ =	strace $0x90000049  }
0x26: {  	_ =	strace $0x8000004A  }
0x27: {  	[tilespmem:s7], [sflag:$0x5] =	stream.indirect.gather [hbm4b:s1+s6], $0x80, s3, s6, $0x2000b8;
	[tilespmem:$0x5100] =	vst v63  }
0x28: {  	_ =	swait.ge [sflag:s8], $0x2800  }
0x29: {  	[sflag:s8] =	ssyncset.done $0x0  }
0x2a: {  	[sflag:s8] =	ssyncadd.s32 $0xFFFFD800  }
0x2b: {  	_ =	strace $0x9000004A  }
0x2c: {  	_ =	strace $0x8000004B  }
0x2d: {  	[hbm4b:s9+s3] =	stream.linear.scatter [tilespmem:s7], [sflag:$0x3], $0x2800, $0x200038;
	[tilespmem:$0x5100] =	vst v63  }
.Ltmp1:
0x2e: {  	_ =	strace $0x9000004B;
	(pc) =	sbr.rel @p0 .LBB2_1-.Ltmp1, $4  }
0x2f: {  	_ =	strace $0x8000004C  }
0x30: {  	_ =	swait.ge [sflag:s10], $0x2800  }
0x31: {  	[sflag:s10] =	ssyncset.done $0x0  }
0x32: {  	[sflag:s10] =	ssyncadd.s32 $0xFFFFD800  }
.LBB2_2:
0x33: {  	_ =	strace $0x9000004C  }
0x34: {  	_ =	sfence.sel $0x180000  }
0x35: {  	[bflag:$0x0] =	sbarrier.arrive $0xFFFF  }
0x36: {  	p0 =	sne.s32 s2, $0x0;
	_ =	strace $0x90000047  }
0x37: {  	s0 =	sadd.s32 @!p0 $0x100000, s0;
	[bflag:$0x2] =	sbarrier.arrive $0xFFFF  }
0x38: {  	[sflag:s0] =	ssyncadd.tile.s32 @!p0 $0x1;
	_ =	shalt  }
.Lfunc_end2:
_tile_overlayer_lowered:
.L_overlay_start_2:
0x39: {  	(tag) =	ssettag $0x2  }
0x3a: {  	s0 =	rddreg [dreg:$0x0];
	s2 =	stileid.u32  }
0x3b: {  	s1 =	rddreg [dreg:$0x1];
	p0 =	sne.s32 s2, $0x0  }
0x3c: {  	s3 =	rddreg [dreg:$0x2];
	[bflag:$0x3] =	sbarrier.arrive $0xFFFF;
	s2 =	simm.s32 @!p0 $0x1C01  }
0x3d: {  	[timem:s3], [sflag:s2] =	dma.local @!p0 [hbm:s0], s1  }
0x3e: {  	s0 =	simm.s32 @!p0 $0x1  }
0x3f: {  	_ =	swait.ge @!p0 [sflag:s0], s1  }
0x40: {  	s1 =	ssub.s32 @!p0 $0x0, s1;
	[sflag:s0] =	ssyncset.done @!p0 $0x0  }
0x41: {  	[sflag:s0] =	ssyncadd.s32 @!p0 s1  }
0x42: {  	[bflag:$0x3] =	sbarrier.arrive $0xFFFF  }
0x43: {  	_ =	shalt  }

// kernel: kernel.8.cloned.1.call-start
scs
__scs_entry_jumppad:
0x0: {  	(pc) =	sbr.rel $0x88, $3  }
0x1: {  	(tag) =	ssettag $0x0;
	lr =	simm.s32 $0x1  }
0x2: {  	[smem:$0x3F9B] =	sst lr;
	_ =	strace $0xD0000000  }
0x3: {  	_ = 	snop  }
0x4: {  	_ = 	snop  }
0x5: {  	_ = 	snop  }
0x6: {  	_ = 	snop  }
0x7: {  	_ = 	snop  }
__scs_overlays_trampoline_lowered:
0x8: {  	[smem:$0x3FAA] =	sst s0  }
0x9: {  	[smem:$0x3FAB] =	sst s1  }
0xa: {  	[smem:$0x3FAC] =	sst s2  }
0xb: {  	[smem:$0x3FAD] =	sst s3  }
0xc: {  	[smem:$0x3FAE] =	sst s4  }
0xd: {  	[smem:$0x3FAF] =	sst s5  }
0xe: {  	[smem:$0x3FB0] =	sst s6  }
0xf: {  	[smem:$0x3FB1] =	sst s7  }
0x10: {  	[smem:$0x3FB2] =	sst s8  }
0x11: {  	[smem:$0x3FB3] =	sst s9;
	s0 =	simm.s32 @!p0 $0x0  }
0x12: {  	s1 =	sld [smem:$0x3F99];
	s0 =	simm.s32 @p0 $0x1  }
0x13: {  	[smem:$0x3FB4] =	sst s0;
	s0 =	simm.s32 @!p1 $0x0  }
0x14: {  	s2 =	sld [smem:$0x3F98];
	s0 =	simm.s32 @p1 $0x1  }
0x15: {  	[smem:$0x3FB5] =	sst s0;
	s0 =	simm.s32 @!p2 $0x0  }
0x16: {  	s3 =	sld [smem:$0x3FDB];
	s0 =	simm.s32 @p2 $0x1  }
0x17: {  	s4 =	simm.s32 $0x1BF5;
	[smem:$0x3FB7] =	sst s0  }
0x18: {  	s0 =	sld [smem:$0x3F9A];
	_ =	swait.ge [sflag:s4], $0x0  }
0x19: {  	s7 =	sld [smem:$0x3F9B]  }
0x1a: {  	s8 =	sadd.s32 $0xFFFFE003, lr  }
0x1b: {  	s9 =	sadd.s32 $0xFFFFFEF7, lr;
	s5 =	simm.s32 $0xFFFFFFFF;
	p2 =	slt.u32 s8, $0xFFFFF086  }
0x1c: {  	p1 =	slt.u32 s9, $0xF7A;
	s5 =	simm.s32 @!p2 $0x0  }
0x1d: {  	s5 =	simm.s32 @p1 $0x1;
	p0 =	seq.s32 s7, s2  }
0x1e: {  	s7 =	smul.u32 @!p0 $0xF7A, s2;
	p2 =	seq.s32 @!p0 s5, $0x0  }
0x1f: {  	s9 =	smul.u32 $0xF7A, s1;
	s8 =	simm.s32 @!p0 $0x1BF5;
	p2 =	por !p2, p0  }
0x20: {  	[sflag:s8] =	ssyncset.s32 @!p0 $0xFFFFF086;
	s6 =	sadd.s32 @!p0 s3, s7;
	s7 =	simm.s32 @!p0 $0x108  }
0x21: {  	s3 =	sadd.s32 s3, s9;
	s6 =	sadd.s32 @!p0 $0x88, s6;
	s7 =	simm.s32 @p2 $0x1082  }
0x22: {  	[simem:s7], [sflag:s8] =	dma.local @!p0 [hbm:s6], $0xF7A  }
0x23: {  	s9 =	sor.u32 $0xD0000000, s2;
	s6 =	simm.s32 $0x108;
	_ =	swait.ge @!p0 [sflag:s8], $0x0  }
0x24: {  	s3 =	sadd.s32 $0x88, s3;
	s6 =	simm.s32 @!p1 $0x1082;
	[sflag:s4] =	ssyncset.s32 $0xFFFFF086  }
0x25: {  	[simem:s6], [sflag:s4] =	dma.local [hbm:s3], $0xF7A  }
0x26: {  	[smem:$0x3F9B] =	sst s1;
	(tag) =	ssettag s2;
	_ =	strace s9  }
0x27: {  	s1 =	sld [smem:$0x3FAB]  }
0x28: {  	s2 =	sld [smem:$0x3FAC]  }
0x29: {  	s4 =	sld [smem:$0x3FAE]  }
0x2a: {  	p0 =	seq.s32 s5, $0x0;
	s5 =	sld [smem:$0x3FAF]  }
0x2b: {  	s6 =	sld [smem:$0x3FB0]  }
0x2c: {  	s7 =	sld [smem:$0x3FB1]  }
0x2d: {  	s3 =	simm.s32 $0x108;
	s8 =	sld [smem:$0x3FB2]  }
0x2e: {  	s3 =	simm.s32 @!p0 $0x1082;
	s9 =	sld [smem:$0x3FB3]  }
0x2f: {  	lr =	sadd.s32 s0, s3;
	s0 =	sld [smem:$0x3FAA]  }
0x30: {  	s3 =	sld [smem:$0x3FAD]  }
0x31: {  	[smem:$0x3FB6] =	sst s10  }
0x32: {  	s10 =	sld [smem:$0x3FB4];
	_ =	sdelay $0x3  }
0x33: {  	p0 =	seq.s32 s10, $0x1;
	s10 =	sld [smem:$0x3FB6];
	_ =	sdelay $0x3  }
0x34: {  	[smem:$0x3FB6] =	sst s10  }
0x35: {  	s10 =	sld [smem:$0x3FB5];
	_ =	sdelay $0x3  }
0x36: {  	p1 =	seq.s32 s10, $0x1;
	s10 =	sld [smem:$0x3FB6];
	_ =	sdelay $0x3  }
0x37: {  	[smem:$0x3FB6] =	sst s10  }
0x38: {  	s10 =	sld [smem:$0x3FB7]  }
0x39: {  	_ = 	snop;
	(pc) =	sbr.ind lr, $3  }
0x3a: {  	_ = 	snop  }
0x3b: {  	_ = 	snop  }
0x3c: {  	p2 =	seq.s32 s10, $0x1;
	s10 =	sld [smem:$0x3FB6]  }
0x3d: {  	_ =	shalt  }
0x3e: {  	_ =	shalt  }
0x3f: {  	_ =	shalt  }
0x40: {  	_ =	shalt  }
0x41: {  	_ =	shalt  }
0x42: {  	_ =	shalt  }
0x43: {  	_ =	shalt  }
0x44: {  	_ =	shalt  }
0x45: {  	_ =	shalt  }
0x46: {  	_ =	shalt  }
0x47: {  	_ =	shalt  }
0x48: {  	_ =	shalt  }
0x49: {  	_ =	shalt  }
0x4a: {  	_ =	shalt  }
0x4b: {  	_ =	shalt  }
0x4c: {  	_ =	shalt  }
0x4d: {  	_ =	shalt  }
0x4e: {  	_ =	shalt  }
0x4f: {  	_ =	shalt  }
0x50: {  	_ =	shalt  }
0x51: {  	_ =	shalt  }
0x52: {  	_ =	shalt  }
0x53: {  	_ =	shalt  }
0x54: {  	_ =	shalt  }
0x55: {  	_ =	shalt  }
0x56: {  	_ =	shalt  }
0x57: {  	_ =	shalt  }
0x58: {  	_ =	shalt  }
0x59: {  	_ =	shalt  }
0x5a: {  	_ =	shalt  }
0x5b: {  	_ =	shalt  }
0x5c: {  	_ =	shalt  }
0x5d: {  	_ =	shalt  }
0x5e: {  	_ =	shalt  }
0x5f: {  	_ =	shalt  }
0x60: {  	_ =	shalt  }
0x61: {  	_ =	shalt  }
0x62: {  	_ =	shalt  }
0x63: {  	_ =	shalt  }
0x64: {  	_ =	shalt  }
0x65: {  	_ =	shalt  }
0x66: {  	_ =	shalt  }
0x67: {  	_ =	shalt  }
0x68: {  	_ =	shalt  }
0x69: {  	_ =	shalt  }
0x6a: {  	_ =	shalt  }
0x6b: {  	_ =	shalt  }
0x6c: {  	_ =	shalt  }
0x6d: {  	_ =	shalt  }
0x6e: {  	_ =	shalt  }
0x6f: {  	_ =	shalt  }
0x70: {  	_ =	shalt  }
0x71: {  	_ =	shalt  }
0x72: {  	_ =	shalt  }
0x73: {  	_ =	shalt  }
0x74: {  	_ =	shalt  }
0x75: {  	_ =	shalt  }
0x76: {  	_ =	shalt  }
0x77: {  	_ =	shalt  }
0x78: {  	_ =	shalt  }
0x79: {  	_ =	shalt  }
0x7a: {  	_ =	shalt  }
0x7b: {  	_ =	shalt  }
0x7c: {  	_ =	shalt  }
0x7d: {  	_ =	shalt  }
0x7e: {  	_ =	shalt  }
0x7f: {  	_ =	shalt  }
0x80: {  	_ =	shalt  }
0x81: {  	_ =	shalt  }
0x82: {  	_ =	shalt  }
0x83: {  	_ =	shalt  }
0x84: {  	_ =	shalt  }
0x85: {  	_ =	shalt  }
0x86: {  	_ =	shalt  }
0x87: {  	_ =	shalt  }
.Lfunc_end0:
.L_simem_size_0:
called_computation.1_lowered:
.L_overlay_start_0:
0x88: {  	s2 =	sld [smem:$0x3FD9]  }
0x89: {  	s3 =	sld [smem:$0x3FFE];
	_ =	sdelay $0x1  }
0x8a: {  	s1 =	srdreg.scid  }
0x8b: {  	s0 =	sand.u32 $0x1, s1  }
0x8c: {  	s17 =	sshll.u32 s0, $0xA;
	s2 =	sadd.s32 s3, s2  }
0x8d: {  	s2 =	sadd.s32 s2, s17  }
0x8e: {  	[smem:$0x3FC2] =	sst s2  }
0x8f: {  	_ = 	snop  }
0x90: {  	s18 =	sld [smem:$0x3FC8];
	(tm) =	ssettm $0x1  }
0x91: {  	s19 =	sld [smem:$0x3FFB];
	_ =	sdelay $0x3  }
0x92: {  	_ =	strace s19  }
0x93: {  	s2 =	sld [smem:$0x3FFC];
	_ =	sdelay $0x3  }
0x94: {  	_ =	strace s2  }
0x95: {  	s2 =	sld [smem:$0x3FFD];
	_ =	sdelay $0x3  }
0x96: {  	_ =	strace s2  }
0x97: {  	_ =	strace $0x8FFFFFFF  }
0x98: {  	s20 =	sld [smem:$0x3FDB];
	_ =	sdelay $0x1  }
0x99: {  	s4 =	simm.s32 $_scs_section_size  }
0x9a: {  	s5 =	simm.s32 $_size__tile_overlayer_lowered;
	s6 =	simm.s32 $_tile_overlayer_lowered  }
0x9b: {  	s7 =	simm.s32 $0x1BFF;
	s21 =	sshll.u32 s6, $0x1;
	s4 =	sadd.s32 s4, s20  }
0x9c: {  	s22 =	simm.s32 $0x0;
	s5 =	sshll.u32 s5, $0x1;
	s6 =	sadd.s32 s21, s4  }
0x9d: {  	[timem:s22], [sflag:s7] =	dma.local [hbm:s6], s5  }
0x9e: {  	_ =	swait.ge [sflag:s7], s5  }
0x9f: {  	s5 =	ssub.s32 $0x0, s5;
	[sflag:s7] =	ssyncset.done $0x0  }
0xa0: {  	[sflag:s7] =	ssyncadd.s32 s5;
	_ =	sdelay $0x1  }
0xa1: {  	s23 =	simm.s32 $0x1B8B  }
0xa2: {  	_ =	swait.ge [sflag:s23], $0x1  }
0xa3: {  	[sflag:s23] =	ssyncset.done $0x0  }
0xa4: {  	[sflag:s23] =	ssyncadd.s32 $0xFFFFFFFF  }
0xa5: {  	s5 =	sld [smem:$0x0]  }
0xa6: {  	s6 =	sand.u32 $0xFFFFFFFE, s1  }
0xa7: {  	p0 =	sne.s32 s1, s6  }
0xa8: {  	s6 =	sshll.u32 @p0 s6, $0xE  }
0xa9: {  	s6 =	sadd.s32 @p0 $0x11B8D, s6;
	s7 =	sshll.u32 @p0 s5, $0x11  }
0xaa: {  	s6 =	sor.u32 @p0 s7, s6  }
0xab: {  	[sflag:s6] =	ssyncadd.remote.s32 @p0 $0x1;
	_ =	sdelay $0x1  }
0xac: {  	s6 =	simm.s32 @p0 $0x1B8D  }
0xad: {  	_ =	swait.eq @p0 [sflag:s6], $0x1  }
0xae: {  	[sflag:s6] =	ssyncadd.s32 @p0 $0xFFFFFFFF  }
0xaf: {  	s7 =	sshll.u32 @!p0 s1, $0xE  }
0xb0: {  	s7 =	sor.u32 @!p0 $0x4000, s7;
	s6 =	simm.s32 @!p0 $0x1B8D  }
0xb1: {  	s5 =	sshll.u32 @!p0 s5, $0x11;
	s7 =	sadd.s32 @!p0 $0x11B8D, s7;
	_ =	swait.eq @!p0 [sflag:s6], $0x1  }
0xb2: {  	s5 =	sor.u32 @!p0 s5, s7;
	[sflag:s6] =	ssyncadd.s32 @!p0 $0xFFFFFFFF  }
0xb3: {  	s25 =	simm.s32 $0x1B8E;
	s24 =	sld [smem:$0x3FFE];
	[sflag:s5] =	ssyncadd.remote.s32 @!p0 $0x1  }
0xb4: {  	s26 =	simm.s32 $execute0_lowered;
	[smem:$0x3FD2] =	sst s25  }
0xb5: {  	s6 =	sshll.u32 s26, $0x1;
	_ =	strace $0x8000004E;
	[dreg:$0x1] =	wrdreg $0xFFFFFFFF  }
0xb6: {  	s28 =	simm.s32 $_size_execute0_lowered;
	s4 =	sadd.s32 s4, s6;
	[dreg:$0x0] =	wrdreg $0x0  }
0xb7: {  	s6 =	sshll.u32 s28, $0x1;
	[dreg:$0x2] =	wrdreg s4  }
0xb8: {  	[dreg:$0x3] =	wrdreg s6  }
0xb9: {  	[dreg:$0x4] =	wrdreg $0xC0  }
0xba: {  	_ =	task [dreg:s22], $0x5FFFF  }
0xbb: {  	[dreg:$0x1] =	wrdreg $0xFFFFFFFF  }
0xbc: {  	[dreg:$0x0] =	wrdreg $0x60  }
0xbd: {  	[dreg:$0x2] =	wrdreg s18  }
0xbe: {  	[dreg:$0x3] =	wrdreg s24  }
0xbf: {  	[dreg:$0x4] =	wrdreg $0xA  }
0xc0: {  	_ =	task.clear_ibuf [dreg:s22], $0x5FFFF;
	_ =	strace $0x9000004E  }
0xc1: {  	s29 =	simm.s32 $0xA;
	_ =	strace $0x80000055  }
0xc2: {  	_ =	swait.ge [sflag:s29], $0x1  }
0xc3: {  	[sflag:s29] =	ssyncadd.s32 $0xFFFFFFFF  }
0xc4: {  	_ =	strace $0x90000055  }
0xc5: {  	_ =	sfence  }
0xc6: {  	s30 =	sld [smem:$0x0];
	_ =	sdelay $0x2  }
0xc7: {  	s31 =	sshll.u32 s1, $0xD;
	s1 =	sshrl.u32 s1, $0x2  }
0xc8: {  	s4 =	sand.u32 $0x4000, s31;
	s1 =	sadd.s32 s1, s30  }
0xc9: {  	s0 =	sor.u32 s4, s0;
	s1 =	sshll.u32 s1, $0x11  }
0xca: {  	s0 =	sor.u32 s1, s0  }
0xcb: {  	s0 =	sadd.s32 $0x8F2B, s0  }
0xcc: {  	[sflag:s0] =	ssyncadd.remote.s32 $0x1  }
0xcd: {  	_ =	sfence.sel $0xFFFF  }
0xce: {  	[dreg:$0x0] =	wrdreg $0xFFFFFFFF;
	(pc) =	sbr.abs _section_cstart, $3  }
0xcf: {  	[dreg:$0x1] =	wrdreg $0xFFFFFFFF  }
0xd0: {  	_ =	task.clear_ibuf [dreg:s22], $0x2FFFF;
	_ =	strace $0x9FFFFFFF  }
0xd1: {  	(tm) =	ssettm $0x7FFFFFFF  }
tec
execute0_lowered:
.L_overlay_start_1:
0x0: {  	(tag) =	ssettag $0x1  }
0x1: {  	s0 =	srdreg.scid  }
0x2: {  	s9 =	sand.u32 $0x1, s0  }
0x3: {  	s2 =	rddreg [dreg:$0x0];
	s1 =	stileid.u32;
	s3 =	sshll.u32 s9, $0x4  }
0x4: {  	s10 =	rddreg [dreg:$0x1];
	s4 =	sshll.u32 s1, $0x4;
	s11 =	sor.u32 s1, s3  }
0x5: {  	s4 =	sand.u32 $0x70, s4;
	s3 =	simm.s32 $0x0;
	s5 =	sshll.u32 s11, $0x4  }
0x6: {  	s4 =	sadd.s32 s4, s10;
	[smem:$0x7FF] =	sst s3;
	s5 =	sand.u32 $0x180, s5  }
0x7: {  	s0 =	rddreg [dreg:$0x2];
	_ =	strace $0x8000004F;
	s4 =	sadd.s32 s5, s4  }
0x8: {  	_ =	strace $0x80000050;
	s4 =	sadd.s32 $0xA400, s4  }
0x9: {  	[tilespmem:s3], [sflag:$0x1] =	stream.linear.gather [hbm4b:s4+s3], $0x80, $0x200038;
	[tilespmem:$0x5100] =	vst v63  }
0xa: {  	_ =	strace $0x90000050  }
0xb: {  	s5 =	simm.s32 $0x1;
	_ =	strace $0x80000051  }
0xc: {  	_ =	swait.ge [sflag:s5], $0x80  }
0xd: {  	[sflag:s5] =	ssyncset.done $0x0  }
0xe: {  	[sflag:s5] =	ssyncadd.s32 $0xFFFFFF80  }
0xf: {  	s6 =	simm.s32 $0x50;
	_ =	strace $0x90000051  }
0x10: {  	s7 =	simm.s32 $0x100;
	s8 =	simm.s32 $0x5;
	_ =	strace $0x80000052  }
0x11: {  	[tilespmem:s7], [sflag:$0x5] =	stream.indirect.gather [hbm4b:s2+s6], $0x80, s3, s6, $0x2000b8;
	[tilespmem:$0x5100] =	vst v63  }
0x12: {  	s30 =	ssub.s32 $0x2, s9;
	s11 =	smul.u32 $0x500, s11;
	_ =	swait.ge [sflag:s8], $0x2800  }
0x13: {  	s31 =	sshrl.u32 s30, $0x1;
	[sflag:s8] =	ssyncset.done $0x0  }
0x14: {  	s10 =	sadd.s32 s11, s10;
	s11 =	ssub.s32 s30, s31;
	[sflag:s8] =	ssyncadd.s32 $0xFFFFD800  }
0x15: {  	s11 =	smax.u32 s11, $0x1;
	_ =	strace $0x90000052  }
0x16: {  	s9 =	sadd.s32 $0xA600, s10;
	p0 =	sne.s32 s11, $0x1;
	_ =	strace $0x80000053  }
0x17: {  	[hbm4b:s9+s3] =	stream.linear.scatter [tilespmem:s7], [sflag:$0x3], $0x2800, $0x200038;
	[tilespmem:$0x5100] =	vst v63  }
.Ltmp0:
0x18: {  	_ =	strace $0x90000053;
	(pc) =	sbr.rel @!p0 .LBB2_2-.Ltmp0, $4  }
0x19: {  	s10 =	simm.s32 $0x3;
	_ =	strace $0x80000054  }
0x1a: {  	_ =	swait.ge [sflag:s10], $0x2800  }
0x1b: {  	[sflag:s10] =	ssyncset.done $0x0  }
0x1c: {  	s11 =	sadd.s32 $0xFFFFFFFF, s11;
	[sflag:s10] =	ssyncadd.s32 $0xFFFFD800  }
.LBB2_1:
0x1d: {  	p0 =	sne.s32 s11, $0x1;
	s11 =	sadd.s32 $0xFFFFFFFF, s11;
	_ =	strace $0x90000054  }
0x1e: {  	_ =	strace $0x80000050  }
0x1f: {  	[tilespmem:s3], [sflag:$0x1] =	stream.linear.gather [hbm4b:s4+s3], $0x80, $0x200038;
	[tilespmem:$0x5100] =	vst v63  }
0x20: {  	_ =	strace $0x90000050  }
0x21: {  	_ =	strace $0x80000051  }
0x22: {  	_ =	swait.ge [sflag:s5], $0x80  }
0x23: {  	[sflag:s5] =	ssyncset.done $0x0  }
0x24: {  	[sflag:s5] =	ssyncadd.s32 $0xFFFFFF80  }
0x25: {  	_ =	strace $0x90000051  }
0x26: {  	_ =	strace $0x80000052  }
0x27: {  	[tilespmem:s7], [sflag:$0x5] =	stream.indirect.gather [hbm4b:s2+s6], $0x80, s3, s6, $0x2000b8;
	[tilespmem:$0x5100] =	vst v63  }
0x28: {  	_ =	swait.ge [sflag:s8], $0x2800  }
0x29: {  	[sflag:s8] =	ssyncset.done $0x0  }
0x2a: {  	[sflag:s8] =	ssyncadd.s32 $0xFFFFD800  }
0x2b: {  	_ =	strace $0x90000052  }
0x2c: {  	_ =	strace $0x80000053  }
0x2d: {  	[hbm4b:s9+s3] =	stream.linear.scatter [tilespmem:s7], [sflag:$0x3], $0x2800, $0x200038;
	[tilespmem:$0x5100] =	vst v63  }
.Ltmp1:
0x2e: {  	_ =	strace $0x90000053;
	(pc) =	sbr.rel @p0 .LBB2_1-.Ltmp1, $4  }
0x2f: {  	_ =	strace $0x80000054  }
0x30: {  	_ =	swait.ge [sflag:s10], $0x2800  }
0x31: {  	[sflag:s10] =	ssyncset.done $0x0  }
0x32: {  	[sflag:s10] =	ssyncadd.s32 $0xFFFFD800  }
.LBB2_2:
0x33: {  	_ =	strace $0x90000054  }
0x34: {  	_ =	sfence.sel $0x180000  }
0x35: {  	[bflag:$0x0] =	sbarrier.arrive $0xFFFF  }
0x36: {  	p0 =	sne.s32 s1, $0x0;
	_ =	strace $0x9000004F  }
0x37: {  	s0 =	sadd.s32 @!p0 $0x100000, s0;
	[bflag:$0x2] =	sbarrier.arrive $0xFFFF  }
0x38: {  	[sflag:s0] =	ssyncadd.tile.s32 @!p0 $0x1;
	_ =	shalt  }
.Lfunc_end2:
_tile_overlayer_lowered:
.L_overlay_start_2:
0x39: {  	(tag) =	ssettag $0x2  }
0x3a: {  	s0 =	rddreg [dreg:$0x0];
	s2 =	stileid.u32  }
0x3b: {  	s1 =	rddreg [dreg:$0x1];
	p0 =	sne.s32 s2, $0x0  }
0x3c: {  	s3 =	rddreg [dreg:$0x2];
	[bflag:$0x3] =	sbarrier.arrive $0xFFFF;
	s2 =	simm.s32 @!p0 $0x1C01  }
0x3d: {  	[timem:s3], [sflag:s2] =	dma.local @!p0 [hbm:s0], s1  }
0x3e: {  	s0 =	simm.s32 @!p0 $0x1  }
0x3f: {  	_ =	swait.ge @!p0 [sflag:s0], s1  }
0x40: {  	s1 =	ssub.s32 @!p0 $0x0, s1;
	[sflag:s0] =	ssyncset.done @!p0 $0x0  }
0x41: {  	[sflag:s0] =	ssyncadd.s32 @!p0 s1  }
0x42: {  	[bflag:$0x3] =	sbarrier.arrive $0xFFFF  }
0x43: {  	_ =	shalt  }

</sc_bundles>
